<compile_context>
chip_gen: v7x
topology: tpu7x:2x2x1
jax: 0.10.2.dev20260603
libtpu: 0.0.44.dev20260713+nightly
codegen_flags: <defaults>
</compile_context>

<pallas_src>
import functools

import jax
import jax.numpy as jnp
from jax import lax
from jax.experimental import pallas as pl
from jax.experimental.pallas import tpu as pltpu
from jax.experimental.pallas import tpu_sc as plsc

D = 768
NUM_CHANNELS = 16
BATCH = 16
SEQ = 200
ROWS = BATCH * NUM_CHANNELS * SEQ
LANES = 16
NCORES = 2
NSUB = 16
NW = NCORES * NSUB
ROWS_PER_W = ROWS // NW
BLOCKS_PER_W = ROWS_PER_W // SEQ
CHUNK = 40
NCHUNKS = ROWS_PER_W // CHUNK
CHUNKS_PER_BLOCK = SEQ // CHUNK


def _sc_body(x_hbm, ids_hbm, tok_hbm, ch_hbm, out_hbm,
             idx_v, ids_v, ch_v, buf_v, sem_in, sem_out):
    wid = lax.axis_index("s") * NCORES + lax.axis_index("c")
    row0 = wid * ROWS_PER_W

    pltpu.sync_copy(ids_hbm, ids_v)
    pltpu.async_copy(ch_hbm.at[ids_v], ch_v, sem_in).wait()
    pltpu.sync_copy(x_hbm.at[pl.ds(row0, ROWS_PER_W)], idx_v)

    def chunk_body(t, carry):
        blk = t // CHUNKS_PER_BLOCK
        c = (wid * BLOCKS_PER_W + blk) % NUM_CHANNELS
        pltpu.async_copy(
            tok_hbm.at[idx_v.at[pl.ds(t * CHUNK, CHUNK)]],
            buf_v.at[0], sem_in).wait()
        ch_regs = [ch_v[c, pl.ds(j * LANES, LANES)] for j in range(D // LANES)]

        def row_body(i, _):
            for j in range(D // LANES):
                sl = pl.ds(j * LANES, LANES)
                buf_v[0, i, sl] = buf_v[0, i, sl] + ch_regs[j]
            return 0

        lax.fori_loop(0, CHUNK, row_body, 0)
        pltpu.sync_copy(buf_v.at[0],
                        out_hbm.at[pl.ds(row0 + t * CHUNK, CHUNK)])
        return carry

    lax.fori_loop(0, NCHUNKS, chunk_body, 0)


@jax.jit
def _sc_lookup(xf, ids32, token_table, channel_table):
    mesh = plsc.VectorSubcoreMesh(core_axis_name="c", subcore_axis_name="s")
    f = functools.partial(
        pl.kernel,
        mesh=mesh,
        out_type=jax.ShapeDtypeStruct((ROWS, D), jnp.float32),
        scratch_types=[
            pltpu.VMEM((ROWS_PER_W,), jnp.int32),
            pltpu.VMEM((NUM_CHANNELS,), jnp.int32),
            pltpu.VMEM((NUM_CHANNELS, D), jnp.float32),
            pltpu.VMEM((2, CHUNK, D), jnp.float32),
            pltpu.SemaphoreType.DMA,
            pltpu.SemaphoreType.DMA,
        ],
    )(_sc_body)
    return f(xf, ids32, token_table, channel_table)


def kernel(x, ids, token_table, channel_table):
    xf = x.reshape(ROWS).astype(jnp.int32)
    ids32 = ids.astype(jnp.int32)
    out = _sc_lookup(xf, ids32, token_table, channel_table)
    return out.reshape(BATCH, NUM_CHANNELS, SEQ, D)

# --- scband reference (transcript-rebuilt; emitter-appended) ---
"""Pipeline reference for scband-matrix-embeddings-31963146617574 (READ-ONLY COPY).

The authoritative reference and input builder live on the scoring server;
editing this copy changes nothing except your own understanding.
"""

import jax, jax.numpy as jnp
import numpy as np

VOCAB = 100000
NUM_CHANNELS = 16
D = 768

def setup_inputs(seed: int = 0) -> dict:
    key = jax.random.key(seed)
    k1, k2, k3, k4 = jax.random.split(key, 4)
    x = jax.random.randint(k1, (16, 16, 200), 0, VOCAB, dtype=jnp.int64)
    ids = jax.random.randint(k2, (16,), 0, NUM_CHANNELS, dtype=jnp.int64)
    token_table = jax.random.normal(k3, (VOCAB, D), dtype=jnp.float32) * 0.02
    channel_table = jax.random.normal(k4, (NUM_CHANNELS, D), dtype=jnp.float32) * 0.02
    return {"x": x, "ids": ids, "token_table": token_table, "channel_table": channel_table}

def reference(x, ids, token_table, channel_table):
    # token embedding lookup: [B, C, T] -> [B, C, T, D]
    xe = jnp.take(token_table, x, axis=0)
    # channel_ids = arange(num_channels); gather by ids, then broadcast
    channel_ids = jnp.arange(NUM_CHANNELS, dtype=jnp.int64)
    ch = jnp.take(channel_table, channel_ids[ids], axis=0)  # [C, D]
    channel_emb = ch[None, :, None, :]  # unsqueeze(0).unsqueeze(2) -> [1, C, 1, D]
    return xe + channel_emb

if __name__ == "__main__":
    import jax
    _d = setup_inputs()
    print(jax.jit(kernel)(*tuple(_d.values())))

</pallas_src>

<mosaic_0001>
#map = affine_map<(d0, d1) -> (0)>
#map1 = affine_map<(d0, d1) -> (0, 0)>
module attributes {stable_mosaic.version = 14 : i64} {
  func.func @_sc_body(%arg0: i32, %arg1: i32, %arg2: memref<51200xi32, #tpu.memory_space<hbm>>, %arg3: memref<16xi32, #tpu.memory_space<hbm>>, %arg4: memref<100000x768xf32, #tpu.memory_space<hbm>>, %arg5: memref<16x768xf32, #tpu.memory_space<hbm>>, %arg6: memref<51200x768xf32, #tpu.memory_space<hbm>>, %arg7: memref<1600xi32, #tpu.memory_space<vmem>>, %arg8: memref<16xi32, #tpu.memory_space<vmem>>, %arg9: memref<16x768xf32, #tpu.memory_space<vmem>>, %arg10: memref<2x40x768xf32, #tpu.memory_space<vmem>>, %arg11: memref<!tpu.dma_semaphore, #tpu.memory_space<semaphore_mem>>, %arg12: memref<!tpu.dma_semaphore, #tpu.memory_space<semaphore_mem>>) attributes {dimension_semantics = [#tpu.dimension_semantics<core_parallel>, #tpu.dimension_semantics<subcore_parallel>], iteration_bounds = array<i64: 2, 16>, scalar_prefetch = 0 : i64, scratch_operands = 6 : i64, tpu.core_type = #tpu.core_type<sc_vector_subcore>, window_params = [{transform_indices = #map}, {transform_indices = #map}, {transform_indices = #map1}, {transform_indices = #map1}, {transform_indices = #map1}]} {
    %mul3A = arith.constant 2 : i32
    %mul3A_0 = arith.muli %arg1, %mul3A : i32
    %add3A = arith.addi %mul3A_0, %arg0 : i32
    %mul3A_1 = arith.constant 1600 : i32
    %mul3A_2 = arith.muli %add3A, %mul3A_1 : i32
    "tpu.region"() ({
      %run_scoped3A = tpu.sem_alloc : memref<!tpu.dma_semaphore, #tpu.memory_space<semaphore_mem>>
      tpu.enqueue_dma source(%arg3 : memref<16xi32, #tpu.memory_space<hbm>>) target(%arg8 : memref<16xi32, #tpu.memory_space<vmem>>) target_semaphore(%run_scoped3A : memref<!tpu.dma_semaphore, #tpu.memory_space<semaphore_mem>>)
      tpu.wait_dma2 semaphore(%run_scoped3A : memref<!tpu.dma_semaphore, #tpu.memory_space<semaphore_mem>>) src(%arg3 : memref<16xi32, #tpu.memory_space<hbm>>) dst(%arg8 : memref<16xi32, #tpu.memory_space<vmem>>)
      tpu.yield
    }) : () -> ()
    %dma_start3A = arith.constant 0 : i32
    %dma_start3A_3 = arith.constant 0 : i32
    %dma_start3A_4 = tpu.memref_slice %arg5[%dma_start3A, %dma_start3A_3] : memref<16x768xf32, #tpu.memory_space<hbm>> -> memref<16x768xf32, #tpu.memory_space<hbm>>
    tpu.enqueue_indirect_dma source(%dma_start3A_4 : memref<16x768xf32, #tpu.memory_space<hbm>>) target(%arg9 : memref<16x768xf32, #tpu.memory_space<vmem>>) offsets(%arg8 : memref<16xi32, #tpu.memory_space<vmem>>) semaphore(%arg11 : memref<!tpu.dma_semaphore, #tpu.memory_space<semaphore_mem>>)
    %dma_wait3A = arith.constant 0 : i32
    %dma_wait3A_5 = arith.constant 0 : i32
    %dma_wait3A_6 = tpu.memref_slice %arg5[%dma_wait3A, %dma_wait3A_5] : memref<16x768xf32, #tpu.memory_space<hbm>> -> memref<16x768xf32, #tpu.memory_space<hbm>>
    tpu.wait_indirect_dma semaphore(%arg11 : memref<!tpu.dma_semaphore, #tpu.memory_space<semaphore_mem>>) src(%dma_wait3A_6 : memref<16x768xf32, #tpu.memory_space<hbm>>) dst(%arg9 : memref<16x768xf32, #tpu.memory_space<vmem>>)
    "tpu.region"() ({
      %run_scoped3A = tpu.sem_alloc : memref<!tpu.dma_semaphore, #tpu.memory_space<semaphore_mem>>
      %dma_start3A_12 = tpu.memref_slice %arg2[%mul3A_2] : memref<51200xi32, #tpu.memory_space<hbm>> -> memref<1600xi32, #tpu.memory_space<hbm>>
      %dma_start3A_13 = tpu.memref_slice %arg2[%mul3A_2] : memref<51200xi32, #tpu.memory_space<hbm>> -> memref<1600xi32, #tpu.memory_space<hbm>>
      tpu.enqueue_dma source(%dma_start3A_13 : memref<1600xi32, #tpu.memory_space<hbm>>) target(%arg7 : memref<1600xi32, #tpu.memory_space<vmem>>) target_semaphore(%run_scoped3A : memref<!tpu.dma_semaphore, #tpu.memory_space<semaphore_mem>>)
      %dma_wait3A_14 = tpu.memref_slice %arg2[%mul3A_2] : memref<51200xi32, #tpu.memory_space<hbm>> -> memref<1600xi32, #tpu.memory_space<hbm>>
      %dma_wait3A_15 = tpu.memref_slice %arg2[%mul3A_2] : memref<51200xi32, #tpu.memory_space<hbm>> -> memref<1600xi32, #tpu.memory_space<hbm>>
      tpu.wait_dma2 semaphore(%run_scoped3A : memref<!tpu.dma_semaphore, #tpu.memory_space<semaphore_mem>>) src(%dma_wait3A_15 : memref<1600xi32, #tpu.memory_space<hbm>>) dst(%arg7 : memref<1600xi32, #tpu.memory_space<vmem>>)
      tpu.yield
    }) : () -> ()
    %scan3A = arith.constant 0 : i32
    %scan3A_7 = arith.constant 0 : i32
    %scan3A_8 = arith.constant 40 : i32
    %scan3A_9 = arith.addi %scan3A_7, %scan3A_8 : i32
    %scan3A_10 = arith.constant 1 : i32
    scf.for %scan3A_12 = %scan3A_7 to %scan3A_9 step %scan3A_10  : i32 {
      %jit3A = arith.constant 5 : i32
      %div3A = arith.divsi %scan3A_12, %jit3A : i32
      %sign3A = arith.constant 0 : i32
      %sign3A_13 = arith.cmpi sgt, %scan3A_12, %sign3A : i32
      %sign3A_14 = arith.extui %sign3A_13 : i1 to i32
      %sign3A_15 = arith.constant 0 : i32
      %sign3A_16 = arith.cmpi slt, %scan3A_12, %sign3A_15 : i32
      %sign3A_17 = arith.extui %sign3A_16 : i1 to i32
      %sign3A_18 = arith.subi %sign3A_14, %sign3A_17 : i32
      %sign3A_19 = arith.constant 0 : i32
      %sign3A_20 = arith.cmpi sgt, %jit3A, %sign3A_19 : i32
      %sign3A_21 = arith.extui %sign3A_20 : i1 to i32
      %sign3A_22 = arith.constant 0 : i32
      %sign3A_23 = arith.cmpi slt, %jit3A, %sign3A_22 : i32
      %sign3A_24 = arith.extui %sign3A_23 : i1 to i32
      %sign3A_25 = arith.subi %sign3A_21, %sign3A_24 : i32
      %ne3A = arith.cmpi ne, %sign3A_18, %sign3A_25 : i32
      %rem3A = arith.remsi %scan3A_12, %jit3A : i32
      %ne3A_26 = arith.constant 0 : i32
      %ne3A_27 = arith.cmpi ne, %rem3A, %ne3A_26 : i32
      %and3A = arith.andi %ne3A, %ne3A_27 : i1
      %sub3A = arith.constant 1 : i32
      %sub3A_28 = arith.subi %div3A, %sub3A : i32
      %select_n3A = arith.select %and3A, %sub3A_28, %div3A : i32
      %mul3A_29 = arith.constant 8 : i32
      %mul3A_30 = arith.muli %add3A, %mul3A_29 : i32
      %add3A_31 = arith.addi %mul3A_30, %select_n3A : i32
      %jit3A_32 = arith.constant 16 : i32
      %eq3A = arith.constant 0 : i32
      %eq3A_33 = arith.cmpi eq, %jit3A_32, %eq3A : i32
      %jit3A_34 = arith.constant 1 : i32
      %select_n3A_35 = arith.select %eq3A_33, %jit3A_34, %jit3A_32 : i32
      %rem3A_36 = arith.remsi %add3A_31, %select_n3A_35 : i32
      %ne3A_37 = arith.constant 0 : i32
      %ne3A_38 = arith.cmpi ne, %rem3A_36, %ne3A_37 : i32
      %lt3A = arith.constant 0 : i32
      %lt3A_39 = arith.cmpi slt, %rem3A_36, %lt3A : i32
      %lt3A_40 = arith.constant 0 : i32
      %lt3A_41 = arith.cmpi slt, %select_n3A_35, %lt3A_40 : i32
      %ne3A_42 = arith.xori %lt3A_39, %lt3A_41 : i1
      %and3A_43 = arith.andi %ne3A_42, %ne3A_38 : i1
      %add3A_44 = arith.addi %rem3A_36, %select_n3A_35 : i32
      %select_n3A_45 = arith.select %and3A_43, %add3A_44, %rem3A_36 : i32
      %mul3A_46 = arith.constant 40 : i32
      %mul3A_47 = arith.muli %scan3A_12, %mul3A_46 : i32
      %dma_start3A_48 = arith.constant 0 : i32
      %dma_start3A_49 = arith.constant 0 : i32
      %dma_start3A_50 = arith.constant 0 : i32
      %dma_start3A_51 = tpu.memref_slice %arg10[%dma_start3A_48, %dma_start3A_49, %dma_start3A_50] : memref<2x40x768xf32, #tpu.memory_space<vmem>> -> memref<1x40x768xf32, #tpu.memory_space<vmem>>
      %dma_start3A_52 = tpu.memref_squeeze %dma_start3A_51 : memref<1x40x768xf32, #tpu.memory_space<vmem>> -> memref<40x768xf32, #tpu.memory_space<vmem>>
      %dma_start3A_53 = tpu.memref_slice %arg7[%mul3A_47] : memref<1600xi32, #tpu.memory_space<vmem>> -> memref<40xi32, #tpu.memory_space<vmem>>
      %dma_start3A_54 = arith.constant 0 : i32
      %dma_start3A_55 = arith.constant 0 : i32
      %dma_start3A_56 = tpu.memref_slice %arg4[%dma_start3A_54, %dma_start3A_55] : memref<100000x768xf32, #tpu.memory_space<hbm>> -> memref<100000x768xf32, #tpu.memory_space<hbm>>
      tpu.enqueue_indirect_dma source(%dma_start3A_56 : memref<100000x768xf32, #tpu.memory_space<hbm>>) target(%dma_start3A_52 : memref<40x768xf32, #tpu.memory_space<vmem>>) offsets(%dma_start3A_53 : memref<40xi32, #tpu.memory_space<vmem>>) semaphore(%arg11 : memref<!tpu.dma_semaphore, #tpu.memory_space<semaphore_mem>>)
      %dma_wait3A_57 = arith.constant 0 : i32
      %dma_wait3A_58 = arith.constant 0 : i32
      %dma_wait3A_59 = arith.constant 0 : i32
      %dma_wait3A_60 = tpu.memref_slice %arg10[%dma_wait3A_57, %dma_wait3A_58, %dma_wait3A_59] : memref<2x40x768xf32, #tpu.memory_space<vmem>> -> memref<1x40x768xf32, #tpu.memory_space<vmem>>
      %dma_wait3A_61 = tpu.memref_squeeze %dma_wait3A_60 : memref<1x40x768xf32, #tpu.memory_space<vmem>> -> memref<40x768xf32, #tpu.memory_space<vmem>>
      %dma_wait3A_62 = tpu.memref_slice %arg7[%mul3A_47] : memref<1600xi32, #tpu.memory_space<vmem>> -> memref<40xi32, #tpu.memory_space<vmem>>
      %dma_wait3A_63 = arith.constant 0 : i32
      %dma_wait3A_64 = arith.constant 0 : i32
      %dma_wait3A_65 = tpu.memref_slice %arg4[%dma_wait3A_63, %dma_wait3A_64] : memref<100000x768xf32, #tpu.memory_space<hbm>> -> memref<100000x768xf32, #tpu.memory_space<hbm>>
      tpu.wait_indirect_dma semaphore(%arg11 : memref<!tpu.dma_semaphore, #tpu.memory_space<semaphore_mem>>) src(%dma_wait3A_65 : memref<100000x768xf32, #tpu.memory_space<hbm>>) dst(%dma_wait3A_61 : memref<40x768xf32, #tpu.memory_space<vmem>>)
      %get3A = arith.index_cast %select_n3A_45 : i32 to index
      %get3A_66 = arith.constant 0 : index
      %get3A_67 = tpu.vector_load %arg9[%get3A, %get3A_66] {strides = array<i32>} : memref<16x768xf32, #tpu.memory_space<vmem>>, vector<1x16xf32>,
      %get3A_68 = vector.shape_cast %get3A_67 : vector<1x16xf32> to vector<16xf32>
      %get3A_69 = arith.index_cast %select_n3A_45 : i32 to index
      %get3A_70 = arith.constant 16 : index
      %get3A_71 = tpu.vector_load %arg9[%get3A_69, %get3A_70] {strides = array<i32>} : memref<16x768xf32, #tpu.memory_space<vmem>>, vector<1x16xf32>,
      %get3A_72 = vector.shape_cast %get3A_71 : vector<1x16xf32> to vector<16xf32>
      %get3A_73 = arith.index_cast %select_n3A_45 : i32 to index
      %get3A_74 = arith.constant 32 : index
      %get3A_75 = tpu.vector_load %arg9[%get3A_73, %get3A_74] {strides = array<i32>} : memref<16x768xf32, #tpu.memory_space<vmem>>, vector<1x16xf32>,
      %get3A_76 = vector.shape_cast %get3A_75 : vector<1x16xf32> to vector<16xf32>
      %get3A_77 = arith.index_cast %select_n3A_45 : i32 to index
      %get3A_78 = arith.constant 48 : index
      %get3A_79 = tpu.vector_load %arg9[%get3A_77, %get3A_78] {strides = array<i32>} : memref<16x768xf32, #tpu.memory_space<vmem>>, vector<1x16xf32>,
      %get3A_80 = vector.shape_cast %get3A_79 : vector<1x16xf32> to vector<16xf32>
      %get3A_81 = arith.index_cast %select_n3A_45 : i32 to index
      %get3A_82 = arith.constant 64 : index
      %get3A_83 = tpu.vector_load %arg9[%get3A_81, %get3A_82] {strides = array<i32>} : memref<16x768xf32, #tpu.memory_space<vmem>>, vector<1x16xf32>,
      %get3A_84 = vector.shape_cast %get3A_83 : vector<1x16xf32> to vector<16xf32>
      %get3A_85 = arith.index_cast %select_n3A_45 : i32 to index
      %get3A_86 = arith.constant 80 : index
      %get3A_87 = tpu.vector_load %arg9[%get3A_85, %get3A_86] {strides = array<i32>} : memref<16x768xf32, #tpu.memory_space<vmem>>, vector<1x16xf32>,
      %get3A_88 = vector.shape_cast %get3A_87 : vector<1x16xf32> to vector<16xf32>
      %get3A_89 = arith.index_cast %select_n3A_45 : i32 to index
      %get3A_90 = arith.constant 96 : index
      %get3A_91 = tpu.vector_load %arg9[%get3A_89, %get3A_90] {strides = array<i32>} : memref<16x768xf32, #tpu.memory_space<vmem>>, vector<1x16xf32>,
      %get3A_92 = vector.shape_cast %get3A_91 : vector<1x16xf32> to vector<16xf32>
      %get3A_93 = arith.index_cast %select_n3A_45 : i32 to index
      %get3A_94 = arith.constant 112 : index
      %get3A_95 = tpu.vector_load %arg9[%get3A_93, %get3A_94] {strides = array<i32>} : memref<16x768xf32, #tpu.memory_space<vmem>>, vector<1x16xf32>,
      %get3A_96 = vector.shape_cast %get3A_95 : vector<1x16xf32> to vector<16xf32>
      %get3A_97 = arith.index_cast %select_n3A_45 : i32 to index
      %get3A_98 = arith.constant 128 : index
      %get3A_99 = tpu.vector_load %arg9[%get3A_97, %get3A_98] {strides = array<i32>} : memref<16x768xf32, #tpu.memory_space<vmem>>, vector<1x16xf32>,
      %get3A_100 = vector.shape_cast %get3A_99 : vector<1x16xf32> to vector<16xf32>
      %get3A_101 = arith.index_cast %select_n3A_45 : i32 to index
      %get3A_102 = arith.constant 144 : index
      %get3A_103 = tpu.vector_load %arg9[%get3A_101, %get3A_102] {strides = array<i32>} : memref<16x768xf32, #tpu.memory_space<vmem>>, vector<1x16xf32>,
      %get3A_104 = vector.shape_cast %get3A_103 : vector<1x16xf32> to vector<16xf32>
      %get3A_105 = arith.index_cast %select_n3A_45 : i32 to index
      %get3A_106 = arith.constant 160 : index
      %get3A_107 = tpu.vector_load %arg9[%get3A_105, %get3A_106] {strides = array<i32>} : memref<16x768xf32, #tpu.memory_space<vmem>>, vector<1x16xf32>,
      %get3A_108 = vector.shape_cast %get3A_107 : vector<1x16xf32> to vector<16xf32>
      %get3A_109 = arith.index_cast %select_n3A_45 : i32 to index
      %get3A_110 = arith.constant 176 : index
      %get3A_111 = tpu.vector_load %arg9[%get3A_109, %get3A_110] {strides = array<i32>} : memref<16x768xf32, #tpu.memory_space<vmem>>, vector<1x16xf32>,
      %get3A_112 = vector.shape_cast %get3A_111 : vector<1x16xf32> to vector<16xf32>
      %get3A_113 = arith.index_cast %select_n3A_45 : i32 to index
      %get3A_114 = arith.constant 192 : index
      %get3A_115 = tpu.vector_load %arg9[%get3A_113, %get3A_114] {strides = array<i32>} : memref<16x768xf32, #tpu.memory_space<vmem>>, vector<1x16xf32>,
      %get3A_116 = vector.shape_cast %get3A_115 : vector<1x16xf32> to vector<16xf32>
      %get3A_117 = arith.index_cast %select_n3A_45 : i32 to index
      %get3A_118 = arith.constant 208 : index
      %get3A_119 = tpu.vector_load %arg9[%get3A_117, %get3A_118] {strides = array<i32>} : memref<16x768xf32, #tpu.memory_space<vmem>>, vector<1x16xf32>,
      %get3A_120 = vector.shape_cast %get3A_119 : vector<1x16xf32> to vector<16xf32>
      %get3A_121 = arith.index_cast %select_n3A_45 : i32 to index
      %get3A_122 = arith.constant 224 : index
      %get3A_123 = tpu.vector_load %arg9[%get3A_121, %get3A_122] {strides = array<i32>} : memref<16x768xf32, #tpu.memory_space<vmem>>, vector<1x16xf32>,
      %get3A_124 = vector.shape_cast %get3A_123 : vector<1x16xf32> to vector<16xf32>
      %get3A_125 = arith.index_cast %select_n3A_45 : i32 to index
      %get3A_126 = arith.constant 240 : index
      %get3A_127 = tpu.vector_load %arg9[%get3A_125, %get3A_126] {strides = array<i32>} : memref<16x768xf32, #tpu.memory_space<vmem>>, vector<1x16xf32>,
      %get3A_128 = vector.shape_cast %get3A_127 : vector<1x16xf32> to vector<16xf32>
      %get3A_129 = arith.index_cast %select_n3A_45 : i32 to index
      %get3A_130 = arith.constant 256 : index
      %get3A_131 = tpu.vector_load %arg9[%get3A_129, %get3A_130] {strides = array<i32>} : memref<16x768xf32, #tpu.memory_space<vmem>>, vector<1x16xf32>,
      %get3A_132 = vector.shape_cast %get3A_131 : vector<1x16xf32> to vector<16xf32>
      %get3A_133 = arith.index_cast %select_n3A_45 : i32 to index
      %get3A_134 = arith.constant 272 : index
      %get3A_135 = tpu.vector_load %arg9[%get3A_133, %get3A_134] {strides = array<i32>} : memref<16x768xf32, #tpu.memory_space<vmem>>, vector<1x16xf32>,
      %get3A_136 = vector.shape_cast %get3A_135 : vector<1x16xf32> to vector<16xf32>
      %get3A_137 = arith.index_cast %select_n3A_45 : i32 to index
      %get3A_138 = arith.constant 288 : index
      %get3A_139 = tpu.vector_load %arg9[%get3A_137, %get3A_138] {strides = array<i32>} : memref<16x768xf32, #tpu.memory_space<vmem>>, vector<1x16xf32>,
      %get3A_140 = vector.shape_cast %get3A_139 : vector<1x16xf32> to vector<16xf32>
      %get3A_141 = arith.index_cast %select_n3A_45 : i32 to index
      %get3A_142 = arith.constant 304 : index
      %get3A_143 = tpu.vector_load %arg9[%get3A_141, %get3A_142] {strides = array<i32>} : memref<16x768xf32, #tpu.memory_space<vmem>>, vector<1x16xf32>,
      %get3A_144 = vector.shape_cast %get3A_143 : vector<1x16xf32> to vector<16xf32>
      %get3A_145 = arith.index_cast %select_n3A_45 : i32 to index
      %get3A_146 = arith.constant 320 : index
      %get3A_147 = tpu.vector_load %arg9[%get3A_145, %get3A_146] {strides = array<i32>} : memref<16x768xf32, #tpu.memory_space<vmem>>, vector<1x16xf32>,
      %get3A_148 = vector.shape_cast %get3A_147 : vector<1x16xf32> to vector<16xf32>
      %get3A_149 = arith.index_cast %select_n3A_45 : i32 to index
      %get3A_150 = arith.constant 336 : index
      %get3A_151 = tpu.vector_load %arg9[%get3A_149, %get3A_150] {strides = array<i32>} : memref<16x768xf32, #tpu.memory_space<vmem>>, vector<1x16xf32>,
      %get3A_152 = vector.shape_cast %get3A_151 : vector<1x16xf32> to vector<16xf32>
      %get3A_153 = arith.index_cast %select_n3A_45 : i32 to index
      %get3A_154 = arith.constant 352 : index
      %get3A_155 = tpu.vector_load %arg9[%get3A_153, %get3A_154] {strides = array<i32>} : memref<16x768xf32, #tpu.memory_space<vmem>>, vector<1x16xf32>,
      %get3A_156 = vector.shape_cast %get3A_155 : vector<1x16xf32> to vector<16xf32>
      %get3A_157 = arith.index_cast %select_n3A_45 : i32 to index
      %get3A_158 = arith.constant 368 : index
      %get3A_159 = tpu.vector_load %arg9[%get3A_157, %get3A_158] {strides = array<i32>} : memref<16x768xf32, #tpu.memory_space<vmem>>, vector<1x16xf32>,
      %get3A_160 = vector.shape_cast %get3A_159 : vector<1x16xf32> to vector<16xf32>
      %get3A_161 = arith.index_cast %select_n3A_45 : i32 to index
      %get3A_162 = arith.constant 384 : index
      %get3A_163 = tpu.vector_load %arg9[%get3A_161, %get3A_162] {strides = array<i32>} : memref<16x768xf32, #tpu.memory_space<vmem>>, vector<1x16xf32>,
      %get3A_164 = vector.shape_cast %get3A_163 : vector<1x16xf32> to vector<16xf32>
      %get3A_165 = arith.index_cast %select_n3A_45 : i32 to index
      %get3A_166 = arith.constant 400 : index
      %get3A_167 = tpu.vector_load %arg9[%get3A_165, %get3A_166] {strides = array<i32>} : memref<16x768xf32, #tpu.memory_space<vmem>>, vector<1x16xf32>,
      %get3A_168 = vector.shape_cast %get3A_167 : vector<1x16xf32> to vector<16xf32>
      %get3A_169 = arith.index_cast %select_n3A_45 : i32 to index
      %get3A_170 = arith.constant 416 : index
      %get3A_171 = tpu.vector_load %arg9[%get3A_169, %get3A_170] {strides = array<i32>} : memref<16x768xf32, #tpu.memory_space<vmem>>, vector<1x16xf32>,
      %get3A_172 = vector.shape_cast %get3A_171 : vector<1x16xf32> to vector<16xf32>
      %get3A_173 = arith.index_cast %select_n3A_45 : i32 to index
      %get3A_174 = arith.constant 432 : index
      %get3A_175 = tpu.vector_load %arg9[%get3A_173, %get3A_174] {strides = array<i32>} : memref<16x768xf32, #tpu.memory_space<vmem>>, vector<1x16xf32>,
      %get3A_176 = vector.shape_cast %get3A_175 : vector<1x16xf32> to vector<16xf32>
      %get3A_177 = arith.index_cast %select_n3A_45 : i32 to index
      %get3A_178 = arith.constant 448 : index
      %get3A_179 = tpu.vector_load %arg9[%get3A_177, %get3A_178] {strides = array<i32>} : memref<16x768xf32, #tpu.memory_space<vmem>>, vector<1x16xf32>,
      %get3A_180 = vector.shape_cast %get3A_179 : vector<1x16xf32> to vector<16xf32>
      %get3A_181 = arith.index_cast %select_n3A_45 : i32 to index
      %get3A_182 = arith.constant 464 : index
      %get3A_183 = tpu.vector_load %arg9[%get3A_181, %get3A_182] {strides = array<i32>} : memref<16x768xf32, #tpu.memory_space<vmem>>, vector<1x16xf32>,
      %get3A_184 = vector.shape_cast %get3A_183 : vector<1x16xf32> to vector<16xf32>
      %get3A_185 = arith.index_cast %select_n3A_45 : i32 to index
      %get3A_186 = arith.constant 480 : index
      %get3A_187 = tpu.vector_load %arg9[%get3A_185, %get3A_186] {strides = array<i32>} : memref<16x768xf32, #tpu.memory_space<vmem>>, vector<1x16xf32>,
      %get3A_188 = vector.shape_cast %get3A_187 : vector<1x16xf32> to vector<16xf32>
      %get3A_189 = arith.index_cast %select_n3A_45 : i32 to index
      %get3A_190 = arith.constant 496 : index
      %get3A_191 = tpu.vector_load %arg9[%get3A_189, %get3A_190] {strides = array<i32>} : memref<16x768xf32, #tpu.memory_space<vmem>>, vector<1x16xf32>,
      %get3A_192 = vector.shape_cast %get3A_191 : vector<1x16xf32> to vector<16xf32>
      %get3A_193 = arith.index_cast %select_n3A_45 : i32 to index
      %get3A_194 = arith.constant 512 : index
      %get3A_195 = tpu.vector_load %arg9[%get3A_193, %get3A_194] {strides = array<i32>} : memref<16x768xf32, #tpu.memory_space<vmem>>, vector<1x16xf32>,
      %get3A_196 = vector.shape_cast %get3A_195 : vector<1x16xf32> to vector<16xf32>
      %get3A_197 = arith.index_cast %select_n3A_45 : i32 to index
      %get3A_198 = arith.constant 528 : index
      %get3A_199 = tpu.vector_load %arg9[%get3A_197, %get3A_198] {strides = array<i32>} : memref<16x768xf32, #tpu.memory_space<vmem>>, vector<1x16xf32>,
      %get3A_200 = vector.shape_cast %get3A_199 : vector<1x16xf32> to vector<16xf32>
      %get3A_201 = arith.index_cast %select_n3A_45 : i32 to index
      %get3A_202 = arith.constant 544 : index
      %get3A_203 = tpu.vector_load %arg9[%get3A_201, %get3A_202] {strides = array<i32>} : memref<16x768xf32, #tpu.memory_space<vmem>>, vector<1x16xf32>,
      %get3A_204 = vector.shape_cast %get3A_203 : vector<1x16xf32> to vector<16xf32>
      %get3A_205 = arith.index_cast %select_n3A_45 : i32 to index
      %get3A_206 = arith.constant 560 : index
      %get3A_207 = tpu.vector_load %arg9[%get3A_205, %get3A_206] {strides = array<i32>} : memref<16x768xf32, #tpu.memory_space<vmem>>, vector<1x16xf32>,
      %get3A_208 = vector.shape_cast %get3A_207 : vector<1x16xf32> to vector<16xf32>
      %get3A_209 = arith.index_cast %select_n3A_45 : i32 to index
      %get3A_210 = arith.constant 576 : index
      %get3A_211 = tpu.vector_load %arg9[%get3A_209, %get3A_210] {strides = array<i32>} : memref<16x768xf32, #tpu.memory_space<vmem>>, vector<1x16xf32>,
      %get3A_212 = vector.shape_cast %get3A_211 : vector<1x16xf32> to vector<16xf32>
      %get3A_213 = arith.index_cast %select_n3A_45 : i32 to index
      %get3A_214 = arith.constant 592 : index
      %get3A_215 = tpu.vector_load %arg9[%get3A_213, %get3A_214] {strides = array<i32>} : memref<16x768xf32, #tpu.memory_space<vmem>>, vector<1x16xf32>,
      %get3A_216 = vector.shape_cast %get3A_215 : vector<1x16xf32> to vector<16xf32>
      %get3A_217 = arith.index_cast %select_n3A_45 : i32 to index
      %get3A_218 = arith.constant 608 : index
      %get3A_219 = tpu.vector_load %arg9[%get3A_217, %get3A_218] {strides = array<i32>} : memref<16x768xf32, #tpu.memory_space<vmem>>, vector<1x16xf32>,
      %get3A_220 = vector.shape_cast %get3A_219 : vector<1x16xf32> to vector<16xf32>
      %get3A_221 = arith.index_cast %select_n3A_45 : i32 to index
      %get3A_222 = arith.constant 624 : index
      %get3A_223 = tpu.vector_load %arg9[%get3A_221, %get3A_222] {strides = array<i32>} : memref<16x768xf32, #tpu.memory_space<vmem>>, vector<1x16xf32>,
      %get3A_224 = vector.shape_cast %get3A_223 : vector<1x16xf32> to vector<16xf32>
      %get3A_225 = arith.index_cast %select_n3A_45 : i32 to index
      %get3A_226 = arith.constant 640 : index
      %get3A_227 = tpu.vector_load %arg9[%get3A_225, %get3A_226] {strides = array<i32>} : memref<16x768xf32, #tpu.memory_space<vmem>>, vector<1x16xf32>,
      %get3A_228 = vector.shape_cast %get3A_227 : vector<1x16xf32> to vector<16xf32>
      %get3A_229 = arith.index_cast %select_n3A_45 : i32 to index
      %get3A_230 = arith.constant 656 : index
      %get3A_231 = tpu.vector_load %arg9[%get3A_229, %get3A_230] {strides = array<i32>} : memref<16x768xf32, #tpu.memory_space<vmem>>, vector<1x16xf32>,
      %get3A_232 = vector.shape_cast %get3A_231 : vector<1x16xf32> to vector<16xf32>
      %get3A_233 = arith.index_cast %select_n3A_45 : i32 to index
      %get3A_234 = arith.constant 672 : index
      %get3A_235 = tpu.vector_load %arg9[%get3A_233, %get3A_234] {strides = array<i32>} : memref<16x768xf32, #tpu.memory_space<vmem>>, vector<1x16xf32>,
      %get3A_236 = vector.shape_cast %get3A_235 : vector<1x16xf32> to vector<16xf32>
      %get3A_237 = arith.index_cast %select_n3A_45 : i32 to index
      %get3A_238 = arith.constant 688 : index
      %get3A_239 = tpu.vector_load %arg9[%get3A_237, %get3A_238] {strides = array<i32>} : memref<16x768xf32, #tpu.memory_space<vmem>>, vector<1x16xf32>,
      %get3A_240 = vector.shape_cast %get3A_239 : vector<1x16xf32> to vector<16xf32>
      %get3A_241 = arith.index_cast %select_n3A_45 : i32 to index
      %get3A_242 = arith.constant 704 : index
      %get3A_243 = tpu.vector_load %arg9[%get3A_241, %get3A_242] {strides = array<i32>} : memref<16x768xf32, #tpu.memory_space<vmem>>, vector<1x16xf32>,
      %get3A_244 = vector.shape_cast %get3A_243 : vector<1x16xf32> to vector<16xf32>
      %get3A_245 = arith.index_cast %select_n3A_45 : i32 to index
      %get3A_246 = arith.constant 720 : index
      %get3A_247 = tpu.vector_load %arg9[%get3A_245, %get3A_246] {strides = array<i32>} : memref<16x768xf32, #tpu.memory_space<vmem>>, vector<1x16xf32>,
      %get3A_248 = vector.shape_cast %get3A_247 : vector<1x16xf32> to vector<16xf32>
      %get3A_249 = arith.index_cast %select_n3A_45 : i32 to index
      %get3A_250 = arith.constant 736 : index
      %get3A_251 = tpu.vector_load %arg9[%get3A_249, %get3A_250] {strides = array<i32>} : memref<16x768xf32, #tpu.memory_space<vmem>>, vector<1x16xf32>,
      %get3A_252 = vector.shape_cast %get3A_251 : vector<1x16xf32> to vector<16xf32>
      %get3A_253 = arith.index_cast %select_n3A_45 : i32 to index
      %get3A_254 = arith.constant 752 : index
      %get3A_255 = tpu.vector_load %arg9[%get3A_253, %get3A_254] {strides = array<i32>} : memref<16x768xf32, #tpu.memory_space<vmem>>, vector<1x16xf32>,
      %get3A_256 = vector.shape_cast %get3A_255 : vector<1x16xf32> to vector<16xf32>
      %scan3A_257 = arith.constant 0 : i32
      %scan3A_258 = arith.constant 0 : i32
      %scan3A_259 = arith.constant 40 : i32
      %scan3A_260 = arith.addi %scan3A_258, %scan3A_259 : i32
      %scan3A_261 = arith.constant 1 : i32
      %scan3A_262 = scf.for %scan3A_267 = %scan3A_258 to %scan3A_260 step %scan3A_261 iter_args(%scan3A_268 = %scan3A_257) -> (i32)  : i32 {
        %get3A_269 = arith.constant 0 : i32
        %get3A_270 = arith.index_cast %get3A_269 : i32 to index
        %get3A_271 = arith.index_cast %scan3A_267 : i32 to index
        %get3A_272 = arith.constant 0 : index
        %get3A_273 = tpu.vector_load %arg10[%get3A_270, %get3A_271, %get3A_272] {strides = array<i32>} : memref<2x40x768xf32, #tpu.memory_space<vmem>>, vector<1x1x16xf32>,
        %get3A_274 = vector.shape_cast %get3A_273 : vector<1x1x16xf32> to vector<16xf32>
        %add3A_275 = arith.addf %get3A_274, %get3A_68 : vector<16xf32>
        %swap3A = arith.constant 0 : i32
        %swap3A_276 = arith.index_cast %swap3A : i32 to index
        %swap3A_277 = arith.index_cast %scan3A_267 : i32 to index
        %swap3A_278 = arith.constant 0 : index
        %swap3A_279 = tpu.vector_load %arg10[%swap3A_276, %swap3A_277, %swap3A_278] {strides = array<i32>} : memref<2x40x768xf32, #tpu.memory_space<vmem>>, vector<1x1x16xf32>,
        %swap3A_280 = vector.shape_cast %swap3A_279 : vector<1x1x16xf32> to vector<16xf32>
        %swap3A_281 = vector.shape_cast %add3A_275 : vector<16xf32> to vector<1x1x16xf32>
        tpu.vector_store %arg10[%swap3A_276, %swap3A_277, %swap3A_278], %swap3A_281 {strides = array<i32>} : memref<2x40x768xf32, #tpu.memory_space<vmem>>, vector<1x1x16xf32>,
        %get3A_282 = arith.constant 0 : i32
        %get3A_283 = arith.index_cast %get3A_282 : i32 to index
        %get3A_284 = arith.index_cast %scan3A_267 : i32 to index
        %get3A_285 = arith.constant 16 : index
        %get3A_286 = tpu.vector_load %arg10[%get3A_283, %get3A_284, %get3A_285] {strides = array<i32>} : memref<2x40x768xf32, #tpu.memory_space<vmem>>, vector<1x1x16xf32>,
        %get3A_287 = vector.shape_cast %get3A_286 : vector<1x1x16xf32> to vector<16xf32>
        %add3A_288 = arith.addf %get3A_287, %get3A_72 : vector<16xf32>
        %swap3A_289 = arith.constant 0 : i32
        %swap3A_290 = arith.index_cast %swap3A_289 : i32 to index
        %swap3A_291 = arith.index_cast %scan3A_267 : i32 to index
        %swap3A_292 = arith.constant 16 : index
        %swap3A_293 = tpu.vector_load %arg10[%swap3A_290, %swap3A_291, %swap3A_292] {strides = array<i32>} : memref<2x40x768xf32, #tpu.memory_space<vmem>>, vector<1x1x16xf32>,
        %swap3A_294 = vector.shape_cast %swap3A_293 : vector<1x1x16xf32> to vector<16xf32>
        %swap3A_295 = vector.shape_cast %add3A_288 : vector<16xf32> to vector<1x1x16xf32>
        tpu.vector_store %arg10[%swap3A_290, %swap3A_291, %swap3A_292], %swap3A_295 {strides = array<i32>} : memref<2x40x768xf32, #tpu.memory_space<vmem>>, vector<1x1x16xf32>,
        %get3A_296 = arith.constant 0 : i32
        %get3A_297 = arith.index_cast %get3A_296 : i32 to index
        %get3A_298 = arith.index_cast %scan3A_267 : i32 to index
        %get3A_299 = arith.constant 32 : index
        %get3A_300 = tpu.vector_load %arg10[%get3A_297, %get3A_298, %get3A_299] {strides = array<i32>} : memref<2x40x768xf32, #tpu.memory_space<vmem>>, vector<1x1x16xf32>,
        %get3A_301 = vector.shape_cast %get3A_300 : vector<1x1x16xf32> to vector<16xf32>
        %add3A_302 = arith.addf %get3A_301, %get3A_76 : vector<16xf32>
        %swap3A_303 = arith.constant 0 : i32
        %swap3A_304 = arith.index_cast %swap3A_303 : i32 to index
        %swap3A_305 = arith.index_cast %scan3A_267 : i32 to index
        %swap3A_306 = arith.constant 32 : index
        %swap3A_307 = tpu.vector_load %arg10[%swap3A_304, %swap3A_305, %swap3A_306] {strides = array<i32>} : memref<2x40x768xf32, #tpu.memory_space<vmem>>, vector<1x1x16xf32>,
        %swap3A_308 = vector.shape_cast %swap3A_307 : vector<1x1x16xf32> to vector<16xf32>
        %swap3A_309 = vector.shape_cast %add3A_302 : vector<16xf32> to vector<1x1x16xf32>
        tpu.vector_store %arg10[%swap3A_304, %swap3A_305, %swap3A_306], %swap3A_309 {strides = array<i32>} : memref<2x40x768xf32, #tpu.memory_space<vmem>>, vector<1x1x16xf32>,
        %get3A_310 = arith.constant 0 : i32
        %get3A_311 = arith.index_cast %get3A_310 : i32 to index
        %get3A_312 = arith.index_cast %scan3A_267 : i32 to index
        %get3A_313 = arith.constant 48 : index
        %get3A_314 = tpu.vector_load %arg10[%get3A_311, %get3A_312, %get3A_313] {strides = array<i32>} : memref<2x40x768xf32, #tpu.memory_space<vmem>>, vector<1x1x16xf32>,
        %get3A_315 = vector.shape_cast %get3A_314 : vector<1x1x16xf32> to vector<16xf32>
        %add3A_316 = arith.addf %get3A_315, %get3A_80 : vector<16xf32>
        %swap3A_317 = arith.constant 0 : i32
        %swap3A_318 = arith.index_cast %swap3A_317 : i32 to index
        %swap3A_319 = arith.index_cast %scan3A_267 : i32 to index
        %swap3A_320 = arith.constant 48 : index
        %swap3A_321 = tpu.vector_load %arg10[%swap3A_318, %swap3A_319, %swap3A_320] {strides = array<i32>} : memref<2x40x768xf32, #tpu.memory_space<vmem>>, vector<1x1x16xf32>,
        %swap3A_322 = vector.shape_cast %swap3A_321 : vector<1x1x16xf32> to vector<16xf32>
        %swap3A_323 = vector.shape_cast %add3A_316 : vector<16xf32> to vector<1x1x16xf32>
        tpu.vector_store %arg10[%swap3A_318, %swap3A_319, %swap3A_320], %swap3A_323 {strides = array<i32>} : memref<2x40x768xf32, #tpu.memory_space<vmem>>, vector<1x1x16xf32>,
        %get3A_324 = arith.constant 0 : i32
        %get3A_325 = arith.index_cast %get3A_324 : i32 to index
        %get3A_326 = arith.index_cast %scan3A_267 : i32 to index
        %get3A_327 = arith.constant 64 : index
        %get3A_328 = tpu.vector_load %arg10[%get3A_325, %get3A_326, %get3A_327] {strides = array<i32>} : memref<2x40x768xf32, #tpu.memory_space<vmem>>, vector<1x1x16xf32>,
        %get3A_329 = vector.shape_cast %get3A_328 : vector<1x1x16xf32> to vector<16xf32>
        %add3A_330 = arith.addf %get3A_329, %get3A_84 : vector<16xf32>
        %swap3A_331 = arith.constant 0 : i32
        %swap3A_332 = arith.index_cast %swap3A_331 : i32 to index
        %swap3A_333 = arith.index_cast %scan3A_267 : i32 to index
        %swap3A_334 = arith.constant 64 : index
        %swap3A_335 = tpu.vector_load %arg10[%swap3A_332, %swap3A_333, %swap3A_334] {strides = array<i32>} : memref<2x40x768xf32, #tpu.memory_space<vmem>>, vector<1x1x16xf32>,
        %swap3A_336 = vector.shape_cast %swap3A_335 : vector<1x1x16xf32> to vector<16xf32>
        %swap3A_337 = vector.shape_cast %add3A_330 : vector<16xf32> to vector<1x1x16xf32>
        tpu.vector_store %arg10[%swap3A_332, %swap3A_333, %swap3A_334], %swap3A_337 {strides = array<i32>} : memref<2x40x768xf32, #tpu.memory_space<vmem>>, vector<1x1x16xf32>,
        %get3A_338 = arith.constant 0 : i32
        %get3A_339 = arith.index_cast %get3A_338 : i32 to index
        %get3A_340 = arith.index_cast %scan3A_267 : i32 to index
        %get3A_341 = arith.constant 80 : index
        %get3A_342 = tpu.vector_load %arg10[%get3A_339, %get3A_340, %get3A_341] {strides = array<i32>} : memref<2x40x768xf32, #tpu.memory_space<vmem>>, vector<1x1x16xf32>,
        %get3A_343 = vector.shape_cast %get3A_342 : vector<1x1x16xf32> to vector<16xf32>
        %add3A_344 = arith.addf %get3A_343, %get3A_88 : vector<16xf32>
        %swap3A_345 = arith.constant 0 : i32
        %swap3A_346 = arith.index_cast %swap3A_345 : i32 to index
        %swap3A_347 = arith.index_cast %scan3A_267 : i32 to index
        %swap3A_348 = arith.constant 80 : index
        %swap3A_349 = tpu.vector_load %arg10[%swap3A_346, %swap3A_347, %swap3A_348] {strides = array<i32>} : memref<2x40x768xf32, #tpu.memory_space<vmem>>, vector<1x1x16xf32>,
        %swap3A_350 = vector.shape_cast %swap3A_349 : vector<1x1x16xf32> to vector<16xf32>
        %swap3A_351 = vector.shape_cast %add3A_344 : vector<16xf32> to vector<1x1x16xf32>
        tpu.vector_store %arg10[%swap3A_346, %swap3A_347, %swap3A_348], %swap3A_351 {strides = array<i32>} : memref<2x40x768xf32, #tpu.memory_space<vmem>>, vector<1x1x16xf32>,
        %get3A_352 = arith.constant 0 : i32
        %get3A_353 = arith.index_cast %get3A_352 : i32 to index
        %get3A_354 = arith.index_cast %scan3A_267 : i32 to index
        %get3A_355 = arith.constant 96 : index
        %get3A_356 = tpu.vector_load %arg10[%get3A_353, %get3A_354, %get3A_355] {strides = array<i32>} : memref<2x40x768xf32, #tpu.memory_space<vmem>>, vector<1x1x16xf32>,
        %get3A_357 = vector.shape_cast %get3A_356 : vector<1x1x16xf32> to vector<16xf32>
        %add3A_358 = arith.addf %get3A_357, %get3A_92 : vector<16xf32>
        %swap3A_359 = arith.constant 0 : i32
        %swap3A_360 = arith.index_cast %swap3A_359 : i32 to index
        %swap3A_361 = arith.index_cast %scan3A_267 : i32 to index
        %swap3A_362 = arith.constant 96 : index
        %swap3A_363 = tpu.vector_load %arg10[%swap3A_360, %swap3A_361, %swap3A_362] {strides = array<i32>} : memref<2x40x768xf32, #tpu.memory_space<vmem>>, vector<1x1x16xf32>,
        %swap3A_364 = vector.shape_cast %swap3A_363 : vector<1x1x16xf32> to vector<16xf32>
        %swap3A_365 = vector.shape_cast %add3A_358 : vector<16xf32> to vector<1x1x16xf32>
        tpu.vector_store %arg10[%swap3A_360, %swap3A_361, %swap3A_362], %swap3A_365 {strides = array<i32>} : memref<2x40x768xf32, #tpu.memory_space<vmem>>, vector<1x1x16xf32>,
        %get3A_366 = arith.constant 0 : i32
        %get3A_367 = arith.index_cast %get3A_366 : i32 to index
        %get3A_368 = arith.index_cast %scan3A_267 : i32 to index
        %get3A_369 = arith.constant 112 : index
        %get3A_370 = tpu.vector_load %arg10[%get3A_367, %get3A_368, %get3A_369] {strides = array<i32>} : memref<2x40x768xf32, #tpu.memory_space<vmem>>, vector<1x1x16xf32>,
        %get3A_371 = vector.shape_cast %get3A_370 : vector<1x1x16xf32> to vector<16xf32>
        %add3A_372 = arith.addf %get3A_371, %get3A_96 : vector<16xf32>
        %swap3A_373 = arith.constant 0 : i32
        %swap3A_374 = arith.index_cast %swap3A_373 : i32 to index
        %swap3A_375 = arith.index_cast %scan3A_267 : i32 to index
        %swap3A_376 = arith.constant 112 : index
        %swap3A_377 = tpu.vector_load %arg10[%swap3A_374, %swap3A_375, %swap3A_376] {strides = array<i32>} : memref<2x40x768xf32, #tpu.memory_space<vmem>>, vector<1x1x16xf32>,
        %swap3A_378 = vector.shape_cast %swap3A_377 : vector<1x1x16xf32> to vector<16xf32>
        %swap3A_379 = vector.shape_cast %add3A_372 : vector<16xf32> to vector<1x1x16xf32>
        tpu.vector_store %arg10[%swap3A_374, %swap3A_375, %swap3A_376], %swap3A_379 {strides = array<i32>} : memref<2x40x768xf32, #tpu.memory_space<vmem>>, vector<1x1x16xf32>,
        %get3A_380 = arith.constant 0 : i32
        %get3A_381 = arith.index_cast %get3A_380 : i32 to index
        %get3A_382 = arith.index_cast %scan3A_267 : i32 to index
        %get3A_383 = arith.constant 128 : index
        %get3A_384 = tpu.vector_load %arg10[%get3A_381, %get3A_382, %get3A_383] {strides = array<i32>} : memref<2x40x768xf32, #tpu.memory_space<vmem>>, vector<1x1x16xf32>,
        %get3A_385 = vector.shape_cast %get3A_384 : vector<1x1x16xf32> to vector<16xf32>
        %add3A_386 = arith.addf %get3A_385, %get3A_100 : vector<16xf32>
        %swap3A_387 = arith.constant 0 : i32
        %swap3A_388 = arith.index_cast %swap3A_387 : i32 to index
        %swap3A_389 = arith.index_cast %scan3A_267 : i32 to index
        %swap3A_390 = arith.constant 128 : index
        %swap3A_391 = tpu.vector_load %arg10[%swap3A_388, %swap3A_389, %swap3A_390] {strides = array<i32>} : memref<2x40x768xf32, #tpu.memory_space<vmem>>, vector<1x1x16xf32>,
        %swap3A_392 = vector.shape_cast %swap3A_391 : vector<1x1x16xf32> to vector<16xf32>
        %swap3A_393 = vector.shape_cast %add3A_386 : vector<16xf32> to vector<1x1x16xf32>
        tpu.vector_store %arg10[%swap3A_388, %swap3A_389, %swap3A_390], %swap3A_393 {strides = array<i32>} : memref<2x40x768xf32, #tpu.memory_space<vmem>>, vector<1x1x16xf32>,
        %get3A_394 = arith.constant 0 : i32
        %get3A_395 = arith.index_cast %get3A_394 : i32 to index
        %get3A_396 = arith.index_cast %scan3A_267 : i32 to index
        %get3A_397 = arith.constant 144 : index
        %get3A_398 = tpu.vector_load %arg10[%get3A_395, %get3A_396, %get3A_397] {strides = array<i32>} : memref<2x40x768xf32, #tpu.memory_space<vmem>>, vector<1x1x16xf32>,
        %get3A_399 = vector.shape_cast %get3A_398 : vector<1x1x16xf32> to vector<16xf32>
        %add3A_400 = arith.addf %get3A_399, %get3A_104 : vector<16xf32>
        %swap3A_401 = arith.constant 0 : i32
        %swap3A_402 = arith.index_cast %swap3A_401 : i32 to index
        %swap3A_403 = arith.index_cast %scan3A_267 : i32 to index
        %swap3A_404 = arith.constant 144 : index
        %swap3A_405 = tpu.vector_load %arg10[%swap3A_402, %swap3A_403, %swap3A_404] {strides = array<i32>} : memref<2x40x768xf32, #tpu.memory_space<vmem>>, vector<1x1x16xf32>,
        %swap3A_406 = vector.shape_cast %swap3A_405 : vector<1x1x16xf32> to vector<16xf32>
        %swap3A_407 = vector.shape_cast %add3A_400 : vector<16xf32> to vector<1x1x16xf32>
        tpu.vector_store %arg10[%swap3A_402, %swap3A_403, %swap3A_404], %swap3A_407 {strides = array<i32>} : memref<2x40x768xf32, #tpu.memory_space<vmem>>, vector<1x1x16xf32>,
        %get3A_408 = arith.constant 0 : i32
        %get3A_409 = arith.index_cast %get3A_408 : i32 to index
        %get3A_410 = arith.index_cast %scan3A_267 : i32 to index
        %get3A_411 = arith.constant 160 : index
        %get3A_412 = tpu.vector_load %arg10[%get3A_409, %get3A_410, %get3A_411] {strides = array<i32>} : memref<2x40x768xf32, #tpu.memory_space<vmem>>, vector<1x1x16xf32>,
        %get3A_413 = vector.shape_cast %get3A_412 : vector<1x1x16xf32> to vector<16xf32>
        %add3A_414 = arith.addf %get3A_413, %get3A_108 : vector<16xf32>
        %swap3A_415 = arith.constant 0 : i32
        %swap3A_416 = arith.index_cast %swap3A_415 : i32 to index
        %swap3A_417 = arith.index_cast %scan3A_267 : i32 to index
        %swap3A_418 = arith.constant 160 : index
        %swap3A_419 = tpu.vector_load %arg10[%swap3A_416, %swap3A_417, %swap3A_418] {strides = array<i32>} : memref<2x40x768xf32, #tpu.memory_space<vmem>>, vector<1x1x16xf32>,
        %swap3A_420 = vector.shape_cast %swap3A_419 : vector<1x1x16xf32> to vector<16xf32>
        %swap3A_421 = vector.shape_cast %add3A_414 : vector<16xf32> to vector<1x1x16xf32>
        tpu.vector_store %arg10[%swap3A_416, %swap3A_417, %swap3A_418], %swap3A_421 {strides = array<i32>} : memref<2x40x768xf32, #tpu.memory_space<vmem>>, vector<1x1x16xf32>,
        %get3A_422 = arith.constant 0 : i32
        %get3A_423 = arith.index_cast %get3A_422 : i32 to index
        %get3A_424 = arith.index_cast %scan3A_267 : i32 to index
        %get3A_425 = arith.constant 176 : index
        %get3A_426 = tpu.vector_load %arg10[%get3A_423, %get3A_424, %get3A_425] {strides = array<i32>} : memref<2x40x768xf32, #tpu.memory_space<vmem>>, vector<1x1x16xf32>,
        %get3A_427 = vector.shape_cast %get3A_426 : vector<1x1x16xf32> to vector<16xf32>
        %add3A_428 = arith.addf %get3A_427, %get3A_112 : vector<16xf32>
        %swap3A_429 = arith.constant 0 : i32
        %swap3A_430 = arith.index_cast %swap3A_429 : i32 to index
        %swap3A_431 = arith.index_cast %scan3A_267 : i32 to index
        %swap3A_432 = arith.constant 176 : index
        %swap3A_433 = tpu.vector_load %arg10[%swap3A_430, %swap3A_431, %swap3A_432] {strides = array<i32>} : memref<2x40x768xf32, #tpu.memory_space<vmem>>, vector<1x1x16xf32>,
        %swap3A_434 = vector.shape_cast %swap3A_433 : vector<1x1x16xf32> to vector<16xf32>
        %swap3A_435 = vector.shape_cast %add3A_428 : vector<16xf32> to vector<1x1x16xf32>
        tpu.vector_store %arg10[%swap3A_430, %swap3A_431, %swap3A_432], %swap3A_435 {strides = array<i32>} : memref<2x40x768xf32, #tpu.memory_space<vmem>>, vector<1x1x16xf32>,
        %get3A_436 = arith.constant 0 : i32
        %get3A_437 = arith.index_cast %get3A_436 : i32 to index
        %get3A_438 = arith.index_cast %scan3A_267 : i32 to index
        %get3A_439 = arith.constant 192 : index
        %get3A_440 = tpu.vector_load %arg10[%get3A_437, %get3A_438, %get3A_439] {strides = array<i32>} : memref<2x40x768xf32, #tpu.memory_space<vmem>>, vector<1x1x16xf32>,
        %get3A_441 = vector.shape_cast %get3A_440 : vector<1x1x16xf32> to vector<16xf32>
        %add3A_442 = arith.addf %get3A_441, %get3A_116 : vector<16xf32>
        %swap3A_443 = arith.constant 0 : i32
        %swap3A_444 = arith.index_cast %swap3A_443 : i32 to index
        %swap3A_445 = arith.index_cast %scan3A_267 : i32 to index
        %swap3A_446 = arith.constant 192 : index
        %swap3A_447 = tpu.vector_load %arg10[%swap3A_444, %swap3A_445, %swap3A_446] {strides = array<i32>} : memref<2x40x768xf32, #tpu.memory_space<vmem>>, vector<1x1x16xf32>,
        %swap3A_448 = vector.shape_cast %swap3A_447 : vector<1x1x16xf32> to vector<16xf32>
        %swap3A_449 = vector.shape_cast %add3A_442 : vector<16xf32> to vector<1x1x16xf32>
        tpu.vector_store %arg10[%swap3A_444, %swap3A_445, %swap3A_446], %swap3A_449 {strides = array<i32>} : memref<2x40x768xf32, #tpu.memory_space<vmem>>, vector<1x1x16xf32>,
        %get3A_450 = arith.constant 0 : i32
        %get3A_451 = arith.index_cast %get3A_450 : i32 to index
        %get3A_452 = arith.index_cast %scan3A_267 : i32 to index
        %get3A_453 = arith.constant 208 : index
        %get3A_454 = tpu.vector_load %arg10[%get3A_451, %get3A_452, %get3A_453] {strides = array<i32>} : memref<2x40x768xf32, #tpu.memory_space<vmem>>, vector<1x1x16xf32>,
        %get3A_455 = vector.shape_cast %get3A_454 : vector<1x1x16xf32> to vector<16xf32>
        %add3A_456 = arith.addf %get3A_455, %get3A_120 : vector<16xf32>
        %swap3A_457 = arith.constant 0 : i32
        %swap3A_458 = arith.index_cast %swap3A_457 : i32 to index
        %swap3A_459 = arith.index_cast %scan3A_267 : i32 to index
        %swap3A_460 = arith.constant 208 : index
        %swap3A_461 = tpu.vector_load %arg10[%swap3A_458, %swap3A_459, %swap3A_460] {strides = array<i32>} : memref<2x40x768xf32, #tpu.memory_space<vmem>>, vector<1x1x16xf32>,
        %swap3A_462 = vector.shape_cast %swap3A_461 : vector<1x1x16xf32> to vector<16xf32>
        %swap3A_463 = vector.shape_cast %add3A_456 : vector<16xf32> to vector<1x1x16xf32>
        tpu.vector_store %arg10[%swap3A_458, %swap3A_459, %swap3A_460], %swap3A_463 {strides = array<i32>} : memref<2x40x768xf32, #tpu.memory_space<vmem>>, vector<1x1x16xf32>,
        %get3A_464 = arith.constant 0 : i32
        %get3A_465 = arith.index_cast %get3A_464 : i32 to index
        %get3A_466 = arith.index_cast %scan3A_267 : i32 to index
        %get3A_467 = arith.constant 224 : index
        %get3A_468 = tpu.vector_load %arg10[%get3A_465, %get3A_466, %get3A_467] {strides = array<i32>} : memref<2x40x768xf32, #tpu.memory_space<vmem>>, vector<1x1x16xf32>,
        %get3A_469 = vector.shape_cast %get3A_468 : vector<1x1x16xf32> to vector<16xf32>
        %add3A_470 = arith.addf %get3A_469, %get3A_124 : vector<16xf32>
        %swap3A_471 = arith.constant 0 : i32
        %swap3A_472 = arith.index_cast %swap3A_471 : i32 to index
        %swap3A_473 = arith.index_cast %scan3A_267 : i32 to index
        %swap3A_474 = arith.constant 224 : index
        %swap3A_475 = tpu.vector_load %arg10[%swap3A_472, %swap3A_473, %swap3A_474] {strides = array<i32>} : memref<2x40x768xf32, #tpu.memory_space<vmem>>, vector<1x1x16xf32>,
        %swap3A_476 = vector.shape_cast %swap3A_475 : vector<1x1x16xf32> to vector<16xf32>
        %swap3A_477 = vector.shape_cast %add3A_470 : vector<16xf32> to vector<1x1x16xf32>
        tpu.vector_store %arg10[%swap3A_472, %swap3A_473, %swap3A_474], %swap3A_477 {strides = array<i32>} : memref<2x40x768xf32, #tpu.memory_space<vmem>>, vector<1x1x16xf32>,
        %get3A_478 = arith.constant 0 : i32
        %get3A_479 = arith.index_cast %get3A_478 : i32 to index
        %get3A_480 = arith.index_cast %scan3A_267 : i32 to index
        %get3A_481 = arith.constant 240 : index
        %get3A_482 = tpu.vector_load %arg10[%get3A_479, %get3A_480, %get3A_481] {strides = array<i32>} : memref<2x40x768xf32, #tpu.memory_space<vmem>>, vector<1x1x16xf32>,
        %get3A_483 = vector.shape_cast %get3A_482 : vector<1x1x16xf32> to vector<16xf32>
        %add3A_484 = arith.addf %get3A_483, %get3A_128 : vector<16xf32>
        %swap3A_485 = arith.constant 0 : i32
        %swap3A_486 = arith.index_cast %swap3A_485 : i32 to index
        %swap3A_487 = arith.index_cast %scan3A_267 : i32 to index
        %swap3A_488 = arith.constant 240 : index
        %swap3A_489 = tpu.vector_load %arg10[%swap3A_486, %swap3A_487, %swap3A_488] {strides = array<i32>} : memref<2x40x768xf32, #tpu.memory_space<vmem>>, vector<1x1x16xf32>,
        %swap3A_490 = vector.shape_cast %swap3A_489 : vector<1x1x16xf32> to vector<16xf32>
        %swap3A_491 = vector.shape_cast %add3A_484 : vector<16xf32> to vector<1x1x16xf32>
        tpu.vector_store %arg10[%swap3A_486, %swap3A_487, %swap3A_488], %swap3A_491 {strides = array<i32>} : memref<2x40x768xf32, #tpu.memory_space<vmem>>, vector<1x1x16xf32>,
        %get3A_492 = arith.constant 0 : i32
        %get3A_493 = arith.index_cast %get3A_492 : i32 to index
        %get3A_494 = arith.index_cast %scan3A_267 : i32 to index
        %get3A_495 = arith.constant 256 : index
        %get3A_496 = tpu.vector_load %arg10[%get3A_493, %get3A_494, %get3A_495] {strides = array<i32>} : memref<2x40x768xf32, #tpu.memory_space<vmem>>, vector<1x1x16xf32>,
        %get3A_497 = vector.shape_cast %get3A_496 : vector<1x1x16xf32> to vector<16xf32>
        %add3A_498 = arith.addf %get3A_497, %get3A_132 : vector<16xf32>
        %swap3A_499 = arith.constant 0 : i32
        %swap3A_500 = arith.index_cast %swap3A_499 : i32 to index
        %swap3A_501 = arith.index_cast %scan3A_267 : i32 to index
        %swap3A_502 = arith.constant 256 : index
        %swap3A_503 = tpu.vector_load %arg10[%swap3A_500, %swap3A_501, %swap3A_502] {strides = array<i32>} : memref<2x40x768xf32, #tpu.memory_space<vmem>>, vector<1x1x16xf32>,
        %swap3A_504 = vector.shape_cast %swap3A_503 : vector<1x1x16xf32> to vector<16xf32>
        %swap3A_505 = vector.shape_cast %add3A_498 : vector<16xf32> to vector<1x1x16xf32>
        tpu.vector_store %arg10[%swap3A_500, %swap3A_501, %swap3A_502], %swap3A_505 {strides = array<i32>} : memref<2x40x768xf32, #tpu.memory_space<vmem>>, vector<1x1x16xf32>,
        %get3A_506 = arith.constant 0 : i32
        %get3A_507 = arith.index_cast %get3A_506 : i32 to index
        %get3A_508 = arith.index_cast %scan3A_267 : i32 to index
        %get3A_509 = arith.constant 272 : index
        %get3A_510 = tpu.vector_load %arg10[%get3A_507, %get3A_508, %get3A_509] {strides = array<i32>} : memref<2x40x768xf32, #tpu.memory_space<vmem>>, vector<1x1x16xf32>,
        %get3A_511 = vector.shape_cast %get3A_510 : vector<1x1x16xf32> to vector<16xf32>
        %add3A_512 = arith.addf %get3A_511, %get3A_136 : vector<16xf32>
        %swap3A_513 = arith.constant 0 : i32
        %swap3A_514 = arith.index_cast %swap3A_513 : i32 to index
        %swap3A_515 = arith.index_cast %scan3A_267 : i32 to index
        %swap3A_516 = arith.constant 272 : index
        %swap3A_517 = tpu.vector_load %arg10[%swap3A_514, %swap3A_515, %swap3A_516] {strides = array<i32>} : memref<2x40x768xf32, #tpu.memory_space<vmem>>, vector<1x1x16xf32>,
        %swap3A_518 = vector.shape_cast %swap3A_517 : vector<1x1x16xf32> to vector<16xf32>
        %swap3A_519 = vector.shape_cast %add3A_512 : vector<16xf32> to vector<1x1x16xf32>
        tpu.vector_store %arg10[%swap3A_514, %swap3A_515, %swap3A_516], %swap3A_519 {strides = array<i32>} : memref<2x40x768xf32, #tpu.memory_space<vmem>>, vector<1x1x16xf32>,
        %get3A_520 = arith.constant 0 : i32
        %get3A_521 = arith.index_cast %get3A_520 : i32 to index
        %get3A_522 = arith.index_cast %scan3A_267 : i32 to index
        %get3A_523 = arith.constant 288 : index
        %get3A_524 = tpu.vector_load %arg10[%get3A_521, %get3A_522, %get3A_523] {strides = array<i32>} : memref<2x40x768xf32, #tpu.memory_space<vmem>>, vector<1x1x16xf32>,
        %get3A_525 = vector.shape_cast %get3A_524 : vector<1x1x16xf32> to vector<16xf32>
        %add3A_526 = arith.addf %get3A_525, %get3A_140 : vector<16xf32>
        %swap3A_527 = arith.constant 0 : i32
        %swap3A_528 = arith.index_cast %swap3A_527 : i32 to index
        %swap3A_529 = arith.index_cast %scan3A_267 : i32 to index
        %swap3A_530 = arith.constant 288 : index
        %swap3A_531 = tpu.vector_load %arg10[%swap3A_528, %swap3A_529, %swap3A_530] {strides = array<i32>} : memref<2x40x768xf32, #tpu.memory_space<vmem>>, vector<1x1x16xf32>,
        %swap3A_532 = vector.shape_cast %swap3A_531 : vector<1x1x16xf32> to vector<16xf32>
        %swap3A_533 = vector.shape_cast %add3A_526 : vector<16xf32> to vector<1x1x16xf32>
        tpu.vector_store %arg10[%swap3A_528, %swap3A_529, %swap3A_530], %swap3A_533 {strides = array<i32>} : memref<2x40x768xf32, #tpu.memory_space<vmem>>, vector<1x1x16xf32>,
        %get3A_534 = arith.constant 0 : i32
        %get3A_535 = arith.index_cast %get3A_534 : i32 to index
        %get3A_536 = arith.index_cast %scan3A_267 : i32 to index
        %get3A_537 = arith.constant 304 : index
        %get3A_538 = tpu.vector_load %arg10[%get3A_535, %get3A_536, %get3A_537] {strides = array<i32>} : memref<2x40x768xf32, #tpu.memory_space<vmem>>, vector<1x1x16xf32>,
        %get3A_539 = vector.shape_cast %get3A_538 : vector<1x1x16xf32> to vector<16xf32>
        %add3A_540 = arith.addf %get3A_539, %get3A_144 : vector<16xf32>
        %swap3A_541 = arith.constant 0 : i32
        %swap3A_542 = arith.index_cast %swap3A_541 : i32 to index
        %swap3A_543 = arith.index_cast %scan3A_267 : i32 to index
        %swap3A_544 = arith.constant 304 : index
        %swap3A_545 = tpu.vector_load %arg10[%swap3A_542, %swap3A_543, %swap3A_544] {strides = array<i32>} : memref<2x40x768xf32, #tpu.memory_space<vmem>>, vector<1x1x16xf32>,
        %swap3A_546 = vector.shape_cast %swap3A_545 : vector<1x1x16xf32> to vector<16xf32>
        %swap3A_547 = vector.shape_cast %add3A_540 : vector<16xf32> to vector<1x1x16xf32>
        tpu.vector_store %arg10[%swap3A_542, %swap3A_543, %swap3A_544], %swap3A_547 {strides = array<i32>} : memref<2x40x768xf32, #tpu.memory_space<vmem>>, vector<1x1x16xf32>,
        %get3A_548 = arith.constant 0 : i32
        %get3A_549 = arith.index_cast %get3A_548 : i32 to index
        %get3A_550 = arith.index_cast %scan3A_267 : i32 to index
        %get3A_551 = arith.constant 320 : index
        %get3A_552 = tpu.vector_load %arg10[%get3A_549, %get3A_550, %get3A_551] {strides = array<i32>} : memref<2x40x768xf32, #tpu.memory_space<vmem>>, vector<1x1x16xf32>,
        %get3A_553 = vector.shape_cast %get3A_552 : vector<1x1x16xf32> to vector<16xf32>
        %add3A_554 = arith.addf %get3A_553, %get3A_148 : vector<16xf32>
        %swap3A_555 = arith.constant 0 : i32
        %swap3A_556 = arith.index_cast %swap3A_555 : i32 to index
        %swap3A_557 = arith.index_cast %scan3A_267 : i32 to index
        %swap3A_558 = arith.constant 320 : index
        %swap3A_559 = tpu.vector_load %arg10[%swap3A_556, %swap3A_557, %swap3A_558] {strides = array<i32>} : memref<2x40x768xf32, #tpu.memory_space<vmem>>, vector<1x1x16xf32>,
        %swap3A_560 = vector.shape_cast %swap3A_559 : vector<1x1x16xf32> to vector<16xf32>
        %swap3A_561 = vector.shape_cast %add3A_554 : vector<16xf32> to vector<1x1x16xf32>
        tpu.vector_store %arg10[%swap3A_556, %swap3A_557, %swap3A_558], %swap3A_561 {strides = array<i32>} : memref<2x40x768xf32, #tpu.memory_space<vmem>>, vector<1x1x16xf32>,
        %get3A_562 = arith.constant 0 : i32
        %get3A_563 = arith.index_cast %get3A_562 : i32 to index
        %get3A_564 = arith.index_cast %scan3A_267 : i32 to index
        %get3A_565 = arith.constant 336 : index
        %get3A_566 = tpu.vector_load %arg10[%get3A_563, %get3A_564, %get3A_565] {strides = array<i32>} : memref<2x40x768xf32, #tpu.memory_space<vmem>>, vector<1x1x16xf32>,
        %get3A_567 = vector.shape_cast %get3A_566 : vector<1x1x16xf32> to vector<16xf32>
        %add3A_568 = arith.addf %get3A_567, %get3A_152 : vector<16xf32>
        %swap3A_569 = arith.constant 0 : i32
        %swap3A_570 = arith.index_cast %swap3A_569 : i32 to index
        %swap3A_571 = arith.index_cast %scan3A_267 : i32 to index
        %swap3A_572 = arith.constant 336 : index
        %swap3A_573 = tpu.vector_load %arg10[%swap3A_570, %swap3A_571, %swap3A_572] {strides = array<i32>} : memref<2x40x768xf32, #tpu.memory_space<vmem>>, vector<1x1x16xf32>,
        %swap3A_574 = vector.shape_cast %swap3A_573 : vector<1x1x16xf32> to vector<16xf32>
        %swap3A_575 = vector.shape_cast %add3A_568 : vector<16xf32> to vector<1x1x16xf32>
        tpu.vector_store %arg10[%swap3A_570, %swap3A_571, %swap3A_572], %swap3A_575 {strides = array<i32>} : memref<2x40x768xf32, #tpu.memory_space<vmem>>, vector<1x1x16xf32>,
        %get3A_576 = arith.constant 0 : i32
        %get3A_577 = arith.index_cast %get3A_576 : i32 to index
        %get3A_578 = arith.index_cast %scan3A_267 : i32 to index
        %get3A_579 = arith.constant 352 : index
        %get3A_580 = tpu.vector_load %arg10[%get3A_577, %get3A_578, %get3A_579] {strides = array<i32>} : memref<2x40x768xf32, #tpu.memory_space<vmem>>, vector<1x1x16xf32>,
        %get3A_581 = vector.shape_cast %get3A_580 : vector<1x1x16xf32> to vector<16xf32>
        %add3A_582 = arith.addf %get3A_581, %get3A_156 : vector<16xf32>
        %swap3A_583 = arith.constant 0 : i32
        %swap3A_584 = arith.index_cast %swap3A_583 : i32 to index
        %swap3A_585 = arith.index_cast %scan3A_267 : i32 to index
        %swap3A_586 = arith.constant 352 : index
        %swap3A_587 = tpu.vector_load %arg10[%swap3A_584, %swap3A_585, %swap3A_586] {strides = array<i32>} : memref<2x40x768xf32, #tpu.memory_space<vmem>>, vector<1x1x16xf32>,
        %swap3A_588 = vector.shape_cast %swap3A_587 : vector<1x1x16xf32> to vector<16xf32>
        %swap3A_589 = vector.shape_cast %add3A_582 : vector<16xf32> to vector<1x1x16xf32>
        tpu.vector_store %arg10[%swap3A_584, %swap3A_585, %swap3A_586], %swap3A_589 {strides = array<i32>} : memref<2x40x768xf32, #tpu.memory_space<vmem>>, vector<1x1x16xf32>,
        %get3A_590 = arith.constant 0 : i32
        %get3A_591 = arith.index_cast %get3A_590 : i32 to index
        %get3A_592 = arith.index_cast %scan3A_267 : i32 to index
        %get3A_593 = arith.constant 368 : index
        %get3A_594 = tpu.vector_load %arg10[%get3A_591, %get3A_592, %get3A_593] {strides = array<i32>} : memref<2x40x768xf32, #tpu.memory_space<vmem>>, vector<1x1x16xf32>,
        %get3A_595 = vector.shape_cast %get3A_594 : vector<1x1x16xf32> to vector<16xf32>
        %add3A_596 = arith.addf %get3A_595, %get3A_160 : vector<16xf32>
        %swap3A_597 = arith.constant 0 : i32
        %swap3A_598 = arith.index_cast %swap3A_597 : i32 to index
        %swap3A_599 = arith.index_cast %scan3A_267 : i32 to index
        %swap3A_600 = arith.constant 368 : index
        %swap3A_601 = tpu.vector_load %arg10[%swap3A_598, %swap3A_599, %swap3A_600] {strides = array<i32>} : memref<2x40x768xf32, #tpu.memory_space<vmem>>, vector<1x1x16xf32>,
        %swap3A_602 = vector.shape_cast %swap3A_601 : vector<1x1x16xf32> to vector<16xf32>
        %swap3A_603 = vector.shape_cast %add3A_596 : vector<16xf32> to vector<1x1x16xf32>
        tpu.vector_store %arg10[%swap3A_598, %swap3A_599, %swap3A_600], %swap3A_603 {strides = array<i32>} : memref<2x40x768xf32, #tpu.memory_space<vmem>>, vector<1x1x16xf32>,
        %get3A_604 = arith.constant 0 : i32
        %get3A_605 = arith.index_cast %get3A_604 : i32 to index
        %get3A_606 = arith.index_cast %scan3A_267 : i32 to index
        %get3A_607 = arith.constant 384 : index
        %get3A_608 = tpu.vector_load %arg10[%get3A_605, %get3A_606, %get3A_607] {strides = array<i32>} : memref<2x40x768xf32, #tpu.memory_space<vmem>>, vector<1x1x16xf32>,
        %get3A_609 = vector.shape_cast %get3A_608 : vector<1x1x16xf32> to vector<16xf32>
        %add3A_610 = arith.addf %get3A_609, %get3A_164 : vector<16xf32>
        %swap3A_611 = arith.constant 0 : i32
        %swap3A_612 = arith.index_cast %swap3A_611 : i32 to index
        %swap3A_613 = arith.index_cast %scan3A_267 : i32 to index
        %swap3A_614 = arith.constant 384 : index
        %swap3A_615 = tpu.vector_load %arg10[%swap3A_612, %swap3A_613, %swap3A_614] {strides = array<i32>} : memref<2x40x768xf32, #tpu.memory_space<vmem>>, vector<1x1x16xf32>,
        %swap3A_616 = vector.shape_cast %swap3A_615 : vector<1x1x16xf32> to vector<16xf32>
        %swap3A_617 = vector.shape_cast %add3A_610 : vector<16xf32> to vector<1x1x16xf32>
        tpu.vector_store %arg10[%swap3A_612, %swap3A_613, %swap3A_614], %swap3A_617 {strides = array<i32>} : memref<2x40x768xf32, #tpu.memory_space<vmem>>, vector<1x1x16xf32>,
        %get3A_618 = arith.constant 0 : i32
        %get3A_619 = arith.index_cast %get3A_618 : i32 to index
        %get3A_620 = arith.index_cast %scan3A_267 : i32 to index
        %get3A_621 = arith.constant 400 : index
        %get3A_622 = tpu.vector_load %arg10[%get3A_619, %get3A_620, %get3A_621] {strides = array<i32>} : memref<2x40x768xf32, #tpu.memory_space<vmem>>, vector<1x1x16xf32>,
        %get3A_623 = vector.shape_cast %get3A_622 : vector<1x1x16xf32> to vector<16xf32>
        %add3A_624 = arith.addf %get3A_623, %get3A_168 : vector<16xf32>
        %swap3A_625 = arith.constant 0 : i32
        %swap3A_626 = arith.index_cast %swap3A_625 : i32 to index
        %swap3A_627 = arith.index_cast %scan3A_267 : i32 to index
        %swap3A_628 = arith.constant 400 : index
        %swap3A_629 = tpu.vector_load %arg10[%swap3A_626, %swap3A_627, %swap3A_628] {strides = array<i32>} : memref<2x40x768xf32, #tpu.memory_space<vmem>>, vector<1x1x16xf32>,
        %swap3A_630 = vector.shape_cast %swap3A_629 : vector<1x1x16xf32> to vector<16xf32>
        %swap3A_631 = vector.shape_cast %add3A_624 : vector<16xf32> to vector<1x1x16xf32>
        tpu.vector_store %arg10[%swap3A_626, %swap3A_627, %swap3A_628], %swap3A_631 {strides = array<i32>} : memref<2x40x768xf32, #tpu.memory_space<vmem>>, vector<1x1x16xf32>,
        %get3A_632 = arith.constant 0 : i32
        %get3A_633 = arith.index_cast %get3A_632 : i32 to index
        %get3A_634 = arith.index_cast %scan3A_267 : i32 to index
        %get3A_635 = arith.constant 416 : index
        %get3A_636 = tpu.vector_load %arg10[%get3A_633, %get3A_634, %get3A_635] {strides = array<i32>} : memref<2x40x768xf32, #tpu.memory_space<vmem>>, vector<1x1x16xf32>,
        %get3A_637 = vector.shape_cast %get3A_636 : vector<1x1x16xf32> to vector<16xf32>
        %add3A_638 = arith.addf %get3A_637, %get3A_172 : vector<16xf32>
        %swap3A_639 = arith.constant 0 : i32
        %swap3A_640 = arith.index_cast %swap3A_639 : i32 to index
        %swap3A_641 = arith.index_cast %scan3A_267 : i32 to index
        %swap3A_642 = arith.constant 416 : index
        %swap3A_643 = tpu.vector_load %arg10[%swap3A_640, %swap3A_641, %swap3A_642] {strides = array<i32>} : memref<2x40x768xf32, #tpu.memory_space<vmem>>, vector<1x1x16xf32>,
        %swap3A_644 = vector.shape_cast %swap3A_643 : vector<1x1x16xf32> to vector<16xf32>
        %swap3A_645 = vector.shape_cast %add3A_638 : vector<16xf32> to vector<1x1x16xf32>
        tpu.vector_store %arg10[%swap3A_640, %swap3A_641, %swap3A_642], %swap3A_645 {strides = array<i32>} : memref<2x40x768xf32, #tpu.memory_space<vmem>>, vector<1x1x16xf32>,
        %get3A_646 = arith.constant 0 : i32
        %get3A_647 = arith.index_cast %get3A_646 : i32 to index
        %get3A_648 = arith.index_cast %scan3A_267 : i32 to index
        %get3A_649 = arith.constant 432 : index
        %get3A_650 = tpu.vector_load %arg10[%get3A_647, %get3A_648, %get3A_649] {strides = array<i32>} : memref<2x40x768xf32, #tpu.memory_space<vmem>>, vector<1x1x16xf32>,
        %get3A_651 = vector.shape_cast %get3A_650 : vector<1x1x16xf32> to vector<16xf32>
        %add3A_652 = arith.addf %get3A_651, %get3A_176 : vector<16xf32>
        %swap3A_653 = arith.constant 0 : i32
        %swap3A_654 = arith.index_cast %swap3A_653 : i32 to index
        %swap3A_655 = arith.index_cast %scan3A_267 : i32 to index
        %swap3A_656 = arith.constant 432 : index
        %swap3A_657 = tpu.vector_load %arg10[%swap3A_654, %swap3A_655, %swap3A_656] {strides = array<i32>} : memref<2x40x768xf32, #tpu.memory_space<vmem>>, vector<1x1x16xf32>,
        %swap3A_658 = vector.shape_cast %swap3A_657 : vector<1x1x16xf32> to vector<16xf32>
        %swap3A_659 = vector.shape_cast %add3A_652 : vector<16xf32> to vector<1x1x16xf32>
        tpu.vector_store %arg10[%swap3A_654, %swap3A_655, %swap3A_656], %swap3A_659 {strides = array<i32>} : memref<2x40x768xf32, #tpu.memory_space<vmem>>, vector<1x1x16xf32>,
        %get3A_660 = arith.constant 0 : i32
        %get3A_661 = arith.index_cast %get3A_660 : i32 to index
        %get3A_662 = arith.index_cast %scan3A_267 : i32 to index
        %get3A_663 = arith.constant 448 : index
        %get3A_664 = tpu.vector_load %arg10[%get3A_661, %get3A_662, %get3A_663] {strides = array<i32>} : memref<2x40x768xf32, #tpu.memory_space<vmem>>, vector<1x1x16xf32>,
        %get3A_665 = vector.shape_cast %get3A_664 : vector<1x1x16xf32> to vector<16xf32>
        %add3A_666 = arith.addf %get3A_665, %get3A_180 : vector<16xf32>
        %swap3A_667 = arith.constant 0 : i32
        %swap3A_668 = arith.index_cast %swap3A_667 : i32 to index
        %swap3A_669 = arith.index_cast %scan3A_267 : i32 to index
        %swap3A_670 = arith.constant 448 : index
        %swap3A_671 = tpu.vector_load %arg10[%swap3A_668, %swap3A_669, %swap3A_670] {strides = array<i32>} : memref<2x40x768xf32, #tpu.memory_space<vmem>>, vector<1x1x16xf32>,
        %swap3A_672 = vector.shape_cast %swap3A_671 : vector<1x1x16xf32> to vector<16xf32>
        %swap3A_673 = vector.shape_cast %add3A_666 : vector<16xf32> to vector<1x1x16xf32>
        tpu.vector_store %arg10[%swap3A_668, %swap3A_669, %swap3A_670], %swap3A_673 {strides = array<i32>} : memref<2x40x768xf32, #tpu.memory_space<vmem>>, vector<1x1x16xf32>,
        %get3A_674 = arith.constant 0 : i32
        %get3A_675 = arith.index_cast %get3A_674 : i32 to index
        %get3A_676 = arith.index_cast %scan3A_267 : i32 to index
        %get3A_677 = arith.constant 464 : index
        %get3A_678 = tpu.vector_load %arg10[%get3A_675, %get3A_676, %get3A_677] {strides = array<i32>} : memref<2x40x768xf32, #tpu.memory_space<vmem>>, vector<1x1x16xf32>,
        %get3A_679 = vector.shape_cast %get3A_678 : vector<1x1x16xf32> to vector<16xf32>
        %add3A_680 = arith.addf %get3A_679, %get3A_184 : vector<16xf32>
        %swap3A_681 = arith.constant 0 : i32
        %swap3A_682 = arith.index_cast %swap3A_681 : i32 to index
        %swap3A_683 = arith.index_cast %scan3A_267 : i32 to index
        %swap3A_684 = arith.constant 464 : index
        %swap3A_685 = tpu.vector_load %arg10[%swap3A_682, %swap3A_683, %swap3A_684] {strides = array<i32>} : memref<2x40x768xf32, #tpu.memory_space<vmem>>, vector<1x1x16xf32>,
        %swap3A_686 = vector.shape_cast %swap3A_685 : vector<1x1x16xf32> to vector<16xf32>
        %swap3A_687 = vector.shape_cast %add3A_680 : vector<16xf32> to vector<1x1x16xf32>
        tpu.vector_store %arg10[%swap3A_682, %swap3A_683, %swap3A_684], %swap3A_687 {strides = array<i32>} : memref<2x40x768xf32, #tpu.memory_space<vmem>>, vector<1x1x16xf32>,
        %get3A_688 = arith.constant 0 : i32
        %get3A_689 = arith.index_cast %get3A_688 : i32 to index
        %get3A_690 = arith.index_cast %scan3A_267 : i32 to index
        %get3A_691 = arith.constant 480 : index
        %get3A_692 = tpu.vector_load %arg10[%get3A_689, %get3A_690, %get3A_691] {strides = array<i32>} : memref<2x40x768xf32, #tpu.memory_space<vmem>>, vector<1x1x16xf32>,
        %get3A_693 = vector.shape_cast %get3A_692 : vector<1x1x16xf32> to vector<16xf32>
        %add3A_694 = arith.addf %get3A_693, %get3A_188 : vector<16xf32>
        %swap3A_695 = arith.constant 0 : i32
        %swap3A_696 = arith.index_cast %swap3A_695 : i32 to index
        %swap3A_697 = arith.index_cast %scan3A_267 : i32 to index
        %swap3A_698 = arith.constant 480 : index
        %swap3A_699 = tpu.vector_load %arg10[%swap3A_696, %swap3A_697, %swap3A_698] {strides = array<i32>} : memref<2x40x768xf32, #tpu.memory_space<vmem>>, vector<1x1x16xf32>,
        %swap3A_700 = vector.shape_cast %swap3A_699 : vector<1x1x16xf32> to vector<16xf32>
        %swap3A_701 = vector.shape_cast %add3A_694 : vector<16xf32> to vector<1x1x16xf32>
        tpu.vector_store %arg10[%swap3A_696, %swap3A_697, %swap3A_698], %swap3A_701 {strides = array<i32>} : memref<2x40x768xf32, #tpu.memory_space<vmem>>, vector<1x1x16xf32>,
        %get3A_702 = arith.constant 0 : i32
        %get3A_703 = arith.index_cast %get3A_702 : i32 to index
        %get3A_704 = arith.index_cast %scan3A_267 : i32 to index
        %get3A_705 = arith.constant 496 : index
        %get3A_706 = tpu.vector_load %arg10[%get3A_703, %get3A_704, %get3A_705] {strides = array<i32>} : memref<2x40x768xf32, #tpu.memory_space<vmem>>, vector<1x1x16xf32>,
        %get3A_707 = vector.shape_cast %get3A_706 : vector<1x1x16xf32> to vector<16xf32>
        %add3A_708 = arith.addf %get3A_707, %get3A_192 : vector<16xf32>
        %swap3A_709 = arith.constant 0 : i32
        %swap3A_710 = arith.index_cast %swap3A_709 : i32 to index
        %swap3A_711 = arith.index_cast %scan3A_267 : i32 to index
        %swap3A_712 = arith.constant 496 : index
        %swap3A_713 = tpu.vector_load %arg10[%swap3A_710, %swap3A_711, %swap3A_712] {strides = array<i32>} : memref<2x40x768xf32, #tpu.memory_space<vmem>>, vector<1x1x16xf32>,
        %swap3A_714 = vector.shape_cast %swap3A_713 : vector<1x1x16xf32> to vector<16xf32>
        %swap3A_715 = vector.shape_cast %add3A_708 : vector<16xf32> to vector<1x1x16xf32>
        tpu.vector_store %arg10[%swap3A_710, %swap3A_711, %swap3A_712], %swap3A_715 {strides = array<i32>} : memref<2x40x768xf32, #tpu.memory_space<vmem>>, vector<1x1x16xf32>,
        %get3A_716 = arith.constant 0 : i32
        %get3A_717 = arith.index_cast %get3A_716 : i32 to index
        %get3A_718 = arith.index_cast %scan3A_267 : i32 to index
        %get3A_719 = arith.constant 512 : index
        %get3A_720 = tpu.vector_load %arg10[%get3A_717, %get3A_718, %get3A_719] {strides = array<i32>} : memref<2x40x768xf32, #tpu.memory_space<vmem>>, vector<1x1x16xf32>,
        %get3A_721 = vector.shape_cast %get3A_720 : vector<1x1x16xf32> to vector<16xf32>
        %add3A_722 = arith.addf %get3A_721, %get3A_196 : vector<16xf32>
        %swap3A_723 = arith.constant 0 : i32
        %swap3A_724 = arith.index_cast %swap3A_723 : i32 to index
        %swap3A_725 = arith.index_cast %scan3A_267 : i32 to index
        %swap3A_726 = arith.constant 512 : index
        %swap3A_727 = tpu.vector_load %arg10[%swap3A_724, %swap3A_725, %swap3A_726] {strides = array<i32>} : memref<2x40x768xf32, #tpu.memory_space<vmem>>, vector<1x1x16xf32>,
        %swap3A_728 = vector.shape_cast %swap3A_727 : vector<1x1x16xf32> to vector<16xf32>
        %swap3A_729 = vector.shape_cast %add3A_722 : vector<16xf32> to vector<1x1x16xf32>
        tpu.vector_store %arg10[%swap3A_724, %swap3A_725, %swap3A_726], %swap3A_729 {strides = array<i32>} : memref<2x40x768xf32, #tpu.memory_space<vmem>>, vector<1x1x16xf32>,
        %get3A_730 = arith.constant 0 : i32
        %get3A_731 = arith.index_cast %get3A_730 : i32 to index
        %get3A_732 = arith.index_cast %scan3A_267 : i32 to index
        %get3A_733 = arith.constant 528 : index
        %get3A_734 = tpu.vector_load %arg10[%get3A_731, %get3A_732, %get3A_733] {strides = array<i32>} : memref<2x40x768xf32, #tpu.memory_space<vmem>>, vector<1x1x16xf32>,
        %get3A_735 = vector.shape_cast %get3A_734 : vector<1x1x16xf32> to vector<16xf32>
        %add3A_736 = arith.addf %get3A_735, %get3A_200 : vector<16xf32>
        %swap3A_737 = arith.constant 0 : i32
        %swap3A_738 = arith.index_cast %swap3A_737 : i32 to index
        %swap3A_739 = arith.index_cast %scan3A_267 : i32 to index
        %swap3A_740 = arith.constant 528 : index
        %swap3A_741 = tpu.vector_load %arg10[%swap3A_738, %swap3A_739, %swap3A_740] {strides = array<i32>} : memref<2x40x768xf32, #tpu.memory_space<vmem>>, vector<1x1x16xf32>,
        %swap3A_742 = vector.shape_cast %swap3A_741 : vector<1x1x16xf32> to vector<16xf32>
        %swap3A_743 = vector.shape_cast %add3A_736 : vector<16xf32> to vector<1x1x16xf32>
        tpu.vector_store %arg10[%swap3A_738, %swap3A_739, %swap3A_740], %swap3A_743 {strides = array<i32>} : memref<2x40x768xf32, #tpu.memory_space<vmem>>, vector<1x1x16xf32>,
        %get3A_744 = arith.constant 0 : i32
        %get3A_745 = arith.index_cast %get3A_744 : i32 to index
        %get3A_746 = arith.index_cast %scan3A_267 : i32 to index
        %get3A_747 = arith.constant 544 : index
        %get3A_748 = tpu.vector_load %arg10[%get3A_745, %get3A_746, %get3A_747] {strides = array<i32>} : memref<2x40x768xf32, #tpu.memory_space<vmem>>, vector<1x1x16xf32>,
        %get3A_749 = vector.shape_cast %get3A_748 : vector<1x1x16xf32> to vector<16xf32>
        %add3A_750 = arith.addf %get3A_749, %get3A_204 : vector<16xf32>
        %swap3A_751 = arith.constant 0 : i32
        %swap3A_752 = arith.index_cast %swap3A_751 : i32 to index
        %swap3A_753 = arith.index_cast %scan3A_267 : i32 to index
        %swap3A_754 = arith.constant 544 : index
        %swap3A_755 = tpu.vector_load %arg10[%swap3A_752, %swap3A_753, %swap3A_754] {strides = array<i32>} : memref<2x40x768xf32, #tpu.memory_space<vmem>>, vector<1x1x16xf32>,
        %swap3A_756 = vector.shape_cast %swap3A_755 : vector<1x1x16xf32> to vector<16xf32>
        %swap3A_757 = vector.shape_cast %add3A_750 : vector<16xf32> to vector<1x1x16xf32>
        tpu.vector_store %arg10[%swap3A_752, %swap3A_753, %swap3A_754], %swap3A_757 {strides = array<i32>} : memref<2x40x768xf32, #tpu.memory_space<vmem>>, vector<1x1x16xf32>,
        %get3A_758 = arith.constant 0 : i32
        %get3A_759 = arith.index_cast %get3A_758 : i32 to index
        %get3A_760 = arith.index_cast %scan3A_267 : i32 to index
        %get3A_761 = arith.constant 560 : index
        %get3A_762 = tpu.vector_load %arg10[%get3A_759, %get3A_760, %get3A_761] {strides = array<i32>} : memref<2x40x768xf32, #tpu.memory_space<vmem>>, vector<1x1x16xf32>,
        %get3A_763 = vector.shape_cast %get3A_762 : vector<1x1x16xf32> to vector<16xf32>
        %add3A_764 = arith.addf %get3A_763, %get3A_208 : vector<16xf32>
        %swap3A_765 = arith.constant 0 : i32
        %swap3A_766 = arith.index_cast %swap3A_765 : i32 to index
        %swap3A_767 = arith.index_cast %scan3A_267 : i32 to index
        %swap3A_768 = arith.constant 560 : index
        %swap3A_769 = tpu.vector_load %arg10[%swap3A_766, %swap3A_767, %swap3A_768] {strides = array<i32>} : memref<2x40x768xf32, #tpu.memory_space<vmem>>, vector<1x1x16xf32>,
        %swap3A_770 = vector.shape_cast %swap3A_769 : vector<1x1x16xf32> to vector<16xf32>
        %swap3A_771 = vector.shape_cast %add3A_764 : vector<16xf32> to vector<1x1x16xf32>
        tpu.vector_store %arg10[%swap3A_766, %swap3A_767, %swap3A_768], %swap3A_771 {strides = array<i32>} : memref<2x40x768xf32, #tpu.memory_space<vmem>>, vector<1x1x16xf32>,
        %get3A_772 = arith.constant 0 : i32
        %get3A_773 = arith.index_cast %get3A_772 : i32 to index
        %get3A_774 = arith.index_cast %scan3A_267 : i32 to index
        %get3A_775 = arith.constant 576 : index
        %get3A_776 = tpu.vector_load %arg10[%get3A_773, %get3A_774, %get3A_775] {strides = array<i32>} : memref<2x40x768xf32, #tpu.memory_space<vmem>>, vector<1x1x16xf32>,
        %get3A_777 = vector.shape_cast %get3A_776 : vector<1x1x16xf32> to vector<16xf32>
        %add3A_778 = arith.addf %get3A_777, %get3A_212 : vector<16xf32>
        %swap3A_779 = arith.constant 0 : i32
        %swap3A_780 = arith.index_cast %swap3A_779 : i32 to index
        %swap3A_781 = arith.index_cast %scan3A_267 : i32 to index
        %swap3A_782 = arith.constant 576 : index
        %swap3A_783 = tpu.vector_load %arg10[%swap3A_780, %swap3A_781, %swap3A_782] {strides = array<i32>} : memref<2x40x768xf32, #tpu.memory_space<vmem>>, vector<1x1x16xf32>,
        %swap3A_784 = vector.shape_cast %swap3A_783 : vector<1x1x16xf32> to vector<16xf32>
        %swap3A_785 = vector.shape_cast %add3A_778 : vector<16xf32> to vector<1x1x16xf32>
        tpu.vector_store %arg10[%swap3A_780, %swap3A_781, %swap3A_782], %swap3A_785 {strides = array<i32>} : memref<2x40x768xf32, #tpu.memory_space<vmem>>, vector<1x1x16xf32>,
        %get3A_786 = arith.constant 0 : i32
        %get3A_787 = arith.index_cast %get3A_786 : i32 to index
        %get3A_788 = arith.index_cast %scan3A_267 : i32 to index
        %get3A_789 = arith.constant 592 : index
        %get3A_790 = tpu.vector_load %arg10[%get3A_787, %get3A_788, %get3A_789] {strides = array<i32>} : memref<2x40x768xf32, #tpu.memory_space<vmem>>, vector<1x1x16xf32>,
        %get3A_791 = vector.shape_cast %get3A_790 : vector<1x1x16xf32> to vector<16xf32>
        %add3A_792 = arith.addf %get3A_791, %get3A_216 : vector<16xf32>
        %swap3A_793 = arith.constant 0 : i32
        %swap3A_794 = arith.index_cast %swap3A_793 : i32 to index
        %swap3A_795 = arith.index_cast %scan3A_267 : i32 to index
        %swap3A_796 = arith.constant 592 : index
        %swap3A_797 = tpu.vector_load %arg10[%swap3A_794, %swap3A_795, %swap3A_796] {strides = array<i32>} : memref<2x40x768xf32, #tpu.memory_space<vmem>>, vector<1x1x16xf32>,
        %swap3A_798 = vector.shape_cast %swap3A_797 : vector<1x1x16xf32> to vector<16xf32>
        %swap3A_799 = vector.shape_cast %add3A_792 : vector<16xf32> to vector<1x1x16xf32>
        tpu.vector_store %arg10[%swap3A_794, %swap3A_795, %swap3A_796], %swap3A_799 {strides = array<i32>} : memref<2x40x768xf32, #tpu.memory_space<vmem>>, vector<1x1x16xf32>,
        %get3A_800 = arith.constant 0 : i32
        %get3A_801 = arith.index_cast %get3A_800 : i32 to index
        %get3A_802 = arith.index_cast %scan3A_267 : i32 to index
        %get3A_803 = arith.constant 608 : index
        %get3A_804 = tpu.vector_load %arg10[%get3A_801, %get3A_802, %get3A_803] {strides = array<i32>} : memref<2x40x768xf32, #tpu.memory_space<vmem>>, vector<1x1x16xf32>,
        %get3A_805 = vector.shape_cast %get3A_804 : vector<1x1x16xf32> to vector<16xf32>
        %add3A_806 = arith.addf %get3A_805, %get3A_220 : vector<16xf32>
        %swap3A_807 = arith.constant 0 : i32
        %swap3A_808 = arith.index_cast %swap3A_807 : i32 to index
        %swap3A_809 = arith.index_cast %scan3A_267 : i32 to index
        %swap3A_810 = arith.constant 608 : index
        %swap3A_811 = tpu.vector_load %arg10[%swap3A_808, %swap3A_809, %swap3A_810] {strides = array<i32>} : memref<2x40x768xf32, #tpu.memory_space<vmem>>, vector<1x1x16xf32>,
        %swap3A_812 = vector.shape_cast %swap3A_811 : vector<1x1x16xf32> to vector<16xf32>
        %swap3A_813 = vector.shape_cast %add3A_806 : vector<16xf32> to vector<1x1x16xf32>
        tpu.vector_store %arg10[%swap3A_808, %swap3A_809, %swap3A_810], %swap3A_813 {strides = array<i32>} : memref<2x40x768xf32, #tpu.memory_space<vmem>>, vector<1x1x16xf32>,
        %get3A_814 = arith.constant 0 : i32
        %get3A_815 = arith.index_cast %get3A_814 : i32 to index
        %get3A_816 = arith.index_cast %scan3A_267 : i32 to index
        %get3A_817 = arith.constant 624 : index
        %get3A_818 = tpu.vector_load %arg10[%get3A_815, %get3A_816, %get3A_817] {strides = array<i32>} : memref<2x40x768xf32, #tpu.memory_space<vmem>>, vector<1x1x16xf32>,
        %get3A_819 = vector.shape_cast %get3A_818 : vector<1x1x16xf32> to vector<16xf32>
        %add3A_820 = arith.addf %get3A_819, %get3A_224 : vector<16xf32>
        %swap3A_821 = arith.constant 0 : i32
        %swap3A_822 = arith.index_cast %swap3A_821 : i32 to index
        %swap3A_823 = arith.index_cast %scan3A_267 : i32 to index
        %swap3A_824 = arith.constant 624 : index
        %swap3A_825 = tpu.vector_load %arg10[%swap3A_822, %swap3A_823, %swap3A_824] {strides = array<i32>} : memref<2x40x768xf32, #tpu.memory_space<vmem>>, vector<1x1x16xf32>,
        %swap3A_826 = vector.shape_cast %swap3A_825 : vector<1x1x16xf32> to vector<16xf32>
        %swap3A_827 = vector.shape_cast %add3A_820 : vector<16xf32> to vector<1x1x16xf32>
        tpu.vector_store %arg10[%swap3A_822, %swap3A_823, %swap3A_824], %swap3A_827 {strides = array<i32>} : memref<2x40x768xf32, #tpu.memory_space<vmem>>, vector<1x1x16xf32>,
        %get3A_828 = arith.constant 0 : i32
        %get3A_829 = arith.index_cast %get3A_828 : i32 to index
        %get3A_830 = arith.index_cast %scan3A_267 : i32 to index
        %get3A_831 = arith.constant 640 : index
        %get3A_832 = tpu.vector_load %arg10[%get3A_829, %get3A_830, %get3A_831] {strides = array<i32>} : memref<2x40x768xf32, #tpu.memory_space<vmem>>, vector<1x1x16xf32>,
        %get3A_833 = vector.shape_cast %get3A_832 : vector<1x1x16xf32> to vector<16xf32>
        %add3A_834 = arith.addf %get3A_833, %get3A_228 : vector<16xf32>
        %swap3A_835 = arith.constant 0 : i32
        %swap3A_836 = arith.index_cast %swap3A_835 : i32 to index
        %swap3A_837 = arith.index_cast %scan3A_267 : i32 to index
        %swap3A_838 = arith.constant 640 : index
        %swap3A_839 = tpu.vector_load %arg10[%swap3A_836, %swap3A_837, %swap3A_838] {strides = array<i32>} : memref<2x40x768xf32, #tpu.memory_space<vmem>>, vector<1x1x16xf32>,
        %swap3A_840 = vector.shape_cast %swap3A_839 : vector<1x1x16xf32> to vector<16xf32>
        %swap3A_841 = vector.shape_cast %add3A_834 : vector<16xf32> to vector<1x1x16xf32>
        tpu.vector_store %arg10[%swap3A_836, %swap3A_837, %swap3A_838], %swap3A_841 {strides = array<i32>} : memref<2x40x768xf32, #tpu.memory_space<vmem>>, vector<1x1x16xf32>,
        %get3A_842 = arith.constant 0 : i32
        %get3A_843 = arith.index_cast %get3A_842 : i32 to index
        %get3A_844 = arith.index_cast %scan3A_267 : i32 to index
        %get3A_845 = arith.constant 656 : index
        %get3A_846 = tpu.vector_load %arg10[%get3A_843, %get3A_844, %get3A_845] {strides = array<i32>} : memref<2x40x768xf32, #tpu.memory_space<vmem>>, vector<1x1x16xf32>,
        %get3A_847 = vector.shape_cast %get3A_846 : vector<1x1x16xf32> to vector<16xf32>
        %add3A_848 = arith.addf %get3A_847, %get3A_232 : vector<16xf32>
        %swap3A_849 = arith.constant 0 : i32
        %swap3A_850 = arith.index_cast %swap3A_849 : i32 to index
        %swap3A_851 = arith.index_cast %scan3A_267 : i32 to index
        %swap3A_852 = arith.constant 656 : index
        %swap3A_853 = tpu.vector_load %arg10[%swap3A_850, %swap3A_851, %swap3A_852] {strides = array<i32>} : memref<2x40x768xf32, #tpu.memory_space<vmem>>, vector<1x1x16xf32>,
        %swap3A_854 = vector.shape_cast %swap3A_853 : vector<1x1x16xf32> to vector<16xf32>
        %swap3A_855 = vector.shape_cast %add3A_848 : vector<16xf32> to vector<1x1x16xf32>
        tpu.vector_store %arg10[%swap3A_850, %swap3A_851, %swap3A_852], %swap3A_855 {strides = array<i32>} : memref<2x40x768xf32, #tpu.memory_space<vmem>>, vector<1x1x16xf32>,
        %get3A_856 = arith.constant 0 : i32
        %get3A_857 = arith.index_cast %get3A_856 : i32 to index
        %get3A_858 = arith.index_cast %scan3A_267 : i32 to index
        %get3A_859 = arith.constant 672 : index
        %get3A_860 = tpu.vector_load %arg10[%get3A_857, %get3A_858, %get3A_859] {strides = array<i32>} : memref<2x40x768xf32, #tpu.memory_space<vmem>>, vector<1x1x16xf32>,
        %get3A_861 = vector.shape_cast %get3A_860 : vector<1x1x16xf32> to vector<16xf32>
        %add3A_862 = arith.addf %get3A_861, %get3A_236 : vector<16xf32>
        %swap3A_863 = arith.constant 0 : i32
        %swap3A_864 = arith.index_cast %swap3A_863 : i32 to index
        %swap3A_865 = arith.index_cast %scan3A_267 : i32 to index
        %swap3A_866 = arith.constant 672 : index
        %swap3A_867 = tpu.vector_load %arg10[%swap3A_864, %swap3A_865, %swap3A_866] {strides = array<i32>} : memref<2x40x768xf32, #tpu.memory_space<vmem>>, vector<1x1x16xf32>,
        %swap3A_868 = vector.shape_cast %swap3A_867 : vector<1x1x16xf32> to vector<16xf32>
        %swap3A_869 = vector.shape_cast %add3A_862 : vector<16xf32> to vector<1x1x16xf32>
        tpu.vector_store %arg10[%swap3A_864, %swap3A_865, %swap3A_866], %swap3A_869 {strides = array<i32>} : memref<2x40x768xf32, #tpu.memory_space<vmem>>, vector<1x1x16xf32>,
        %get3A_870 = arith.constant 0 : i32
        %get3A_871 = arith.index_cast %get3A_870 : i32 to index
        %get3A_872 = arith.index_cast %scan3A_267 : i32 to index
        %get3A_873 = arith.constant 688 : index
        %get3A_874 = tpu.vector_load %arg10[%get3A_871, %get3A_872, %get3A_873] {strides = array<i32>} : memref<2x40x768xf32, #tpu.memory_space<vmem>>, vector<1x1x16xf32>,
        %get3A_875 = vector.shape_cast %get3A_874 : vector<1x1x16xf32> to vector<16xf32>
        %add3A_876 = arith.addf %get3A_875, %get3A_240 : vector<16xf32>
        %swap3A_877 = arith.constant 0 : i32
        %swap3A_878 = arith.index_cast %swap3A_877 : i32 to index
        %swap3A_879 = arith.index_cast %scan3A_267 : i32 to index
        %swap3A_880 = arith.constant 688 : index
        %swap3A_881 = tpu.vector_load %arg10[%swap3A_878, %swap3A_879, %swap3A_880] {strides = array<i32>} : memref<2x40x768xf32, #tpu.memory_space<vmem>>, vector<1x1x16xf32>,
        %swap3A_882 = vector.shape_cast %swap3A_881 : vector<1x1x16xf32> to vector<16xf32>
        %swap3A_883 = vector.shape_cast %add3A_876 : vector<16xf32> to vector<1x1x16xf32>
        tpu.vector_store %arg10[%swap3A_878, %swap3A_879, %swap3A_880], %swap3A_883 {strides = array<i32>} : memref<2x40x768xf32, #tpu.memory_space<vmem>>, vector<1x1x16xf32>,
        %get3A_884 = arith.constant 0 : i32
        %get3A_885 = arith.index_cast %get3A_884 : i32 to index
        %get3A_886 = arith.index_cast %scan3A_267 : i32 to index
        %get3A_887 = arith.constant 704 : index
        %get3A_888 = tpu.vector_load %arg10[%get3A_885, %get3A_886, %get3A_887] {strides = array<i32>} : memref<2x40x768xf32, #tpu.memory_space<vmem>>, vector<1x1x16xf32>,
        %get3A_889 = vector.shape_cast %get3A_888 : vector<1x1x16xf32> to vector<16xf32>
        %add3A_890 = arith.addf %get3A_889, %get3A_244 : vector<16xf32>
        %swap3A_891 = arith.constant 0 : i32
        %swap3A_892 = arith.index_cast %swap3A_891 : i32 to index
        %swap3A_893 = arith.index_cast %scan3A_267 : i32 to index
        %swap3A_894 = arith.constant 704 : index
        %swap3A_895 = tpu.vector_load %arg10[%swap3A_892, %swap3A_893, %swap3A_894] {strides = array<i32>} : memref<2x40x768xf32, #tpu.memory_space<vmem>>, vector<1x1x16xf32>,
        %swap3A_896 = vector.shape_cast %swap3A_895 : vector<1x1x16xf32> to vector<16xf32>
        %swap3A_897 = vector.shape_cast %add3A_890 : vector<16xf32> to vector<1x1x16xf32>
        tpu.vector_store %arg10[%swap3A_892, %swap3A_893, %swap3A_894], %swap3A_897 {strides = array<i32>} : memref<2x40x768xf32, #tpu.memory_space<vmem>>, vector<1x1x16xf32>,
        %get3A_898 = arith.constant 0 : i32
        %get3A_899 = arith.index_cast %get3A_898 : i32 to index
        %get3A_900 = arith.index_cast %scan3A_267 : i32 to index
        %get3A_901 = arith.constant 720 : index
        %get3A_902 = tpu.vector_load %arg10[%get3A_899, %get3A_900, %get3A_901] {strides = array<i32>} : memref<2x40x768xf32, #tpu.memory_space<vmem>>, vector<1x1x16xf32>,
        %get3A_903 = vector.shape_cast %get3A_902 : vector<1x1x16xf32> to vector<16xf32>
        %add3A_904 = arith.addf %get3A_903, %get3A_248 : vector<16xf32>
        %swap3A_905 = arith.constant 0 : i32
        %swap3A_906 = arith.index_cast %swap3A_905 : i32 to index
        %swap3A_907 = arith.index_cast %scan3A_267 : i32 to index
        %swap3A_908 = arith.constant 720 : index
        %swap3A_909 = tpu.vector_load %arg10[%swap3A_906, %swap3A_907, %swap3A_908] {strides = array<i32>} : memref<2x40x768xf32, #tpu.memory_space<vmem>>, vector<1x1x16xf32>,
        %swap3A_910 = vector.shape_cast %swap3A_909 : vector<1x1x16xf32> to vector<16xf32>
        %swap3A_911 = vector.shape_cast %add3A_904 : vector<16xf32> to vector<1x1x16xf32>
        tpu.vector_store %arg10[%swap3A_906, %swap3A_907, %swap3A_908], %swap3A_911 {strides = array<i32>} : memref<2x40x768xf32, #tpu.memory_space<vmem>>, vector<1x1x16xf32>,
        %get3A_912 = arith.constant 0 : i32
        %get3A_913 = arith.index_cast %get3A_912 : i32 to index
        %get3A_914 = arith.index_cast %scan3A_267 : i32 to index
        %get3A_915 = arith.constant 736 : index
        %get3A_916 = tpu.vector_load %arg10[%get3A_913, %get3A_914, %get3A_915] {strides = array<i32>} : memref<2x40x768xf32, #tpu.memory_space<vmem>>, vector<1x1x16xf32>,
        %get3A_917 = vector.shape_cast %get3A_916 : vector<1x1x16xf32> to vector<16xf32>
        %add3A_918 = arith.addf %get3A_917, %get3A_252 : vector<16xf32>
        %swap3A_919 = arith.constant 0 : i32
        %swap3A_920 = arith.index_cast %swap3A_919 : i32 to index
        %swap3A_921 = arith.index_cast %scan3A_267 : i32 to index
        %swap3A_922 = arith.constant 736 : index
        %swap3A_923 = tpu.vector_load %arg10[%swap3A_920, %swap3A_921, %swap3A_922] {strides = array<i32>} : memref<2x40x768xf32, #tpu.memory_space<vmem>>, vector<1x1x16xf32>,
        %swap3A_924 = vector.shape_cast %swap3A_923 : vector<1x1x16xf32> to vector<16xf32>
        %swap3A_925 = vector.shape_cast %add3A_918 : vector<16xf32> to vector<1x1x16xf32>
        tpu.vector_store %arg10[%swap3A_920, %swap3A_921, %swap3A_922], %swap3A_925 {strides = array<i32>} : memref<2x40x768xf32, #tpu.memory_space<vmem>>, vector<1x1x16xf32>,
        %get3A_926 = arith.constant 0 : i32
        %get3A_927 = arith.index_cast %get3A_926 : i32 to index
        %get3A_928 = arith.index_cast %scan3A_267 : i32 to index
        %get3A_929 = arith.constant 752 : index
        %get3A_930 = tpu.vector_load %arg10[%get3A_927, %get3A_928, %get3A_929] {strides = array<i32>} : memref<2x40x768xf32, #tpu.memory_space<vmem>>, vector<1x1x16xf32>,
        %get3A_931 = vector.shape_cast %get3A_930 : vector<1x1x16xf32> to vector<16xf32>
        %add3A_932 = arith.addf %get3A_931, %get3A_256 : vector<16xf32>
        %swap3A_933 = arith.constant 0 : i32
        %swap3A_934 = arith.index_cast %swap3A_933 : i32 to index
        %swap3A_935 = arith.index_cast %scan3A_267 : i32 to index
        %swap3A_936 = arith.constant 752 : index
        %swap3A_937 = tpu.vector_load %arg10[%swap3A_934, %swap3A_935, %swap3A_936] {strides = array<i32>} : memref<2x40x768xf32, #tpu.memory_space<vmem>>, vector<1x1x16xf32>,
        %swap3A_938 = vector.shape_cast %swap3A_937 : vector<1x1x16xf32> to vector<16xf32>
        %swap3A_939 = vector.shape_cast %add3A_932 : vector<16xf32> to vector<1x1x16xf32>
        tpu.vector_store %arg10[%swap3A_934, %swap3A_935, %swap3A_936], %swap3A_939 {strides = array<i32>} : memref<2x40x768xf32, #tpu.memory_space<vmem>>, vector<1x1x16xf32>,
        %scan3A_940 = arith.constant 0 : i32
        scf.yield %scan3A_940 : i32
      }
      %scan3A_263 = arith.constant 40 : i32
      %mul3A_264 = arith.constant 40 : i32
      %mul3A_265 = arith.muli %scan3A_12, %mul3A_264 : i32
      %add3A_266 = arith.addi %mul3A_2, %mul3A_265 : i32
      %run_scoped3A = arith.constant 0 : i32
      "tpu.region"() ({
        %run_scoped3A_267 = tpu.sem_alloc : memref<!tpu.dma_semaphore, #tpu.memory_space<semaphore_mem>>
        %dma_start3A_268 = arith.constant 0 : i32
        %dma_start3A_269 = arith.constant 0 : i32
        %dma_start3A_270 = tpu.memref_slice %arg10[%run_scoped3A, %dma_start3A_268, %dma_start3A_269] : memref<2x40x768xf32, #tpu.memory_space<vmem>> -> memref<1x40x768xf32, #tpu.memory_space<vmem>>
        %dma_start3A_271 = tpu.memref_squeeze %dma_start3A_270 : memref<1x40x768xf32, #tpu.memory_space<vmem>> -> memref<40x768xf32, #tpu.memory_space<vmem>>
        %dma_start3A_272 = arith.constant 0 : i32
        %dma_start3A_273 = tpu.memref_slice %arg6[%add3A_266, %dma_start3A_272] : memref<51200x768xf32, #tpu.memory_space<hbm>> -> memref<40x768xf32, #tpu.memory_space<hbm>>
        %dma_start3A_274 = arith.constant 0 : i32
        %dma_start3A_275 = tpu.memref_slice %arg6[%add3A_266, %dma_start3A_274] : memref<51200x768xf32, #tpu.memory_space<hbm>> -> memref<40x768xf32, #tpu.memory_space<hbm>>
        %dma_start3A_276 = arith.constant 0 : i32
        %dma_start3A_277 = arith.constant 0 : i32
        %dma_start3A_278 = tpu.memref_slice %arg10[%run_scoped3A, %dma_start3A_276, %dma_start3A_277] : memref<2x40x768xf32, #tpu.memory_space<vmem>> -> memref<1x40x768xf32, #tpu.memory_space<vmem>>
        %dma_start3A_279 = tpu.memref_squeeze %dma_start3A_278 : memref<1x40x768xf32, #tpu.memory_space<vmem>> -> memref<40x768xf32, #tpu.memory_space<vmem>>
        tpu.enqueue_dma source(%dma_start3A_279 : memref<40x768xf32, #tpu.memory_space<vmem>>) target(%dma_start3A_275 : memref<40x768xf32, #tpu.memory_space<hbm>>) target_semaphore(%run_scoped3A_267 : memref<!tpu.dma_semaphore, #tpu.memory_space<semaphore_mem>>)
        %dma_wait3A_280 = arith.constant 0 : i32
        %dma_wait3A_281 = arith.constant 0 : i32
        %dma_wait3A_282 = tpu.memref_slice %arg10[%run_scoped3A, %dma_wait3A_280, %dma_wait3A_281] : memref<2x40x768xf32, #tpu.memory_space<vmem>> -> memref<1x40x768xf32, #tpu.memory_space<vmem>>
        %dma_wait3A_283 = tpu.memref_squeeze %dma_wait3A_282 : memref<1x40x768xf32, #tpu.memory_space<vmem>> -> memref<40x768xf32, #tpu.memory_space<vmem>>
        %dma_wait3A_284 = arith.constant 0 : i32
        %dma_wait3A_285 = tpu.memref_slice %arg6[%add3A_266, %dma_wait3A_284] : memref<51200x768xf32, #tpu.memory_space<hbm>> -> memref<40x768xf32, #tpu.memory_space<hbm>>
        %dma_wait3A_286 = arith.constant 0 : i32
        %dma_wait3A_287 = tpu.memref_slice %arg6[%add3A_266, %dma_wait3A_286] : memref<51200x768xf32, #tpu.memory_space<hbm>> -> memref<40x768xf32, #tpu.memory_space<hbm>>
        %dma_wait3A_288 = arith.constant 0 : i32
        %dma_wait3A_289 = arith.constant 0 : i32
        %dma_wait3A_290 = tpu.memref_slice %arg10[%run_scoped3A, %dma_wait3A_288, %dma_wait3A_289] : memref<2x40x768xf32, #tpu.memory_space<vmem>> -> memref<1x40x768xf32, #tpu.memory_space<vmem>>
        %dma_wait3A_291 = tpu.memref_squeeze %dma_wait3A_290 : memref<1x40x768xf32, #tpu.memory_space<vmem>> -> memref<40x768xf32, #tpu.memory_space<vmem>>
        tpu.wait_dma2 semaphore(%run_scoped3A_267 : memref<!tpu.dma_semaphore, #tpu.memory_space<semaphore_mem>>) src(%dma_wait3A_291 : memref<40x768xf32, #tpu.memory_space<vmem>>) dst(%dma_wait3A_287 : memref<40x768xf32, #tpu.memory_space<hbm>>)
        tpu.yield
      }) : () -> ()
    }
    %scan3A_11 = arith.constant 40 : i32
    return
  }
}

</mosaic_0001>

<sc_bundles>
// kernel: _sc_lookup.3.cloned.1.call-start
scs
__scs_entry_jumppad:
0x0: {  	(pc) =	sbr.rel $0x88, $3  }
0x1: {  	(tag) =	ssettag $0x0;
	lr =	simm.s32 $0x1  }
0x2: {  	[smem:$0x3F9D] =	sst lr;
	_ =	strace $0xD0000000  }
0x3: {  	_ = 	snop  }
0x4: {  	_ = 	snop  }
0x5: {  	_ = 	snop  }
0x6: {  	_ = 	snop  }
0x7: {  	_ = 	snop  }
__scs_overlays_trampoline_lowered:
0x8: {  	[smem:$0x3FAC] =	sst s0  }
0x9: {  	[smem:$0x3FAD] =	sst s1  }
0xa: {  	[smem:$0x3FAE] =	sst s2  }
0xb: {  	[smem:$0x3FAF] =	sst s3  }
0xc: {  	[smem:$0x3FB0] =	sst s4  }
0xd: {  	[smem:$0x3FB1] =	sst s5  }
0xe: {  	[smem:$0x3FB2] =	sst s6  }
0xf: {  	[smem:$0x3FB3] =	sst s7  }
0x10: {  	[smem:$0x3FB4] =	sst s8  }
0x11: {  	[smem:$0x3FB5] =	sst s9;
	s0 =	simm.s32 @!p0 $0x0  }
0x12: {  	s1 =	sld [smem:$0x3F9B];
	s0 =	simm.s32 @p0 $0x1  }
0x13: {  	[smem:$0x3FB6] =	sst s0;
	s0 =	simm.s32 @!p1 $0x0  }
0x14: {  	s2 =	sld [smem:$0x3F9A];
	s0 =	simm.s32 @p1 $0x1  }
0x15: {  	[smem:$0x3FB7] =	sst s0;
	s0 =	simm.s32 @!p2 $0x0  }
0x16: {  	s3 =	sld [smem:$0x3FDB];
	s0 =	simm.s32 @p2 $0x1  }
0x17: {  	s4 =	simm.s32 $0x1BF5;
	[smem:$0x3FB9] =	sst s0  }
0x18: {  	s0 =	sld [smem:$0x3F9C];
	_ =	swait.ge [sflag:s4], $0x0  }
0x19: {  	s7 =	sld [smem:$0x3F9D]  }
0x1a: {  	s8 =	sadd.s32 $0xFFFFE003, lr  }
0x1b: {  	s9 =	sadd.s32 $0xFFFFFEF7, lr;
	s5 =	simm.s32 $0xFFFFFFFF;
	p2 =	slt.u32 s8, $0xFFFFF086  }
0x1c: {  	p1 =	slt.u32 s9, $0xF7A;
	s5 =	simm.s32 @!p2 $0x0  }
0x1d: {  	s5 =	simm.s32 @p1 $0x1;
	p0 =	seq.s32 s7, s2  }
0x1e: {  	s7 =	smul.u32 @!p0 $0xF7A, s2;
	p2 =	seq.s32 @!p0 s5, $0x0  }
0x1f: {  	s9 =	smul.u32 $0xF7A, s1;
	s8 =	simm.s32 @!p0 $0x1BF5;
	p2 =	por !p2, p0  }
0x20: {  	[sflag:s8] =	ssyncset.s32 @!p0 $0xFFFFF086;
	s6 =	sadd.s32 @!p0 s3, s7;
	s7 =	simm.s32 @!p0 $0x108  }
0x21: {  	s3 =	sadd.s32 s3, s9;
	s6 =	sadd.s32 @!p0 $0x88, s6;
	s7 =	simm.s32 @p2 $0x1082  }
0x22: {  	[simem:s7], [sflag:s8] =	dma.local @!p0 [hbm:s6], $0xF7A  }
0x23: {  	s9 =	sor.u32 $0xD0000000, s2;
	s6 =	simm.s32 $0x108;
	_ =	swait.ge @!p0 [sflag:s8], $0x0  }
0x24: {  	s3 =	sadd.s32 $0x88, s3;
	s6 =	simm.s32 @!p1 $0x1082;
	[sflag:s4] =	ssyncset.s32 $0xFFFFF086  }
0x25: {  	[simem:s6], [sflag:s4] =	dma.local [hbm:s3], $0xF7A  }
0x26: {  	[smem:$0x3F9D] =	sst s1;
	(tag) =	ssettag s2;
	_ =	strace s9  }
0x27: {  	s1 =	sld [smem:$0x3FAD]  }
0x28: {  	s2 =	sld [smem:$0x3FAE]  }
0x29: {  	s4 =	sld [smem:$0x3FB0]  }
0x2a: {  	p0 =	seq.s32 s5, $0x0;
	s5 =	sld [smem:$0x3FB1]  }
0x2b: {  	s6 =	sld [smem:$0x3FB2]  }
0x2c: {  	s7 =	sld [smem:$0x3FB3]  }
0x2d: {  	s3 =	simm.s32 $0x108;
	s8 =	sld [smem:$0x3FB4]  }
0x2e: {  	s3 =	simm.s32 @!p0 $0x1082;
	s9 =	sld [smem:$0x3FB5]  }
0x2f: {  	lr =	sadd.s32 s0, s3;
	s0 =	sld [smem:$0x3FAC]  }
0x30: {  	s3 =	sld [smem:$0x3FAF]  }
0x31: {  	[smem:$0x3FB8] =	sst s10  }
0x32: {  	s10 =	sld [smem:$0x3FB6];
	_ =	sdelay $0x3  }
0x33: {  	p0 =	seq.s32 s10, $0x1;
	s10 =	sld [smem:$0x3FB8];
	_ =	sdelay $0x3  }
0x34: {  	[smem:$0x3FB8] =	sst s10  }
0x35: {  	s10 =	sld [smem:$0x3FB7];
	_ =	sdelay $0x3  }
0x36: {  	p1 =	seq.s32 s10, $0x1;
	s10 =	sld [smem:$0x3FB8];
	_ =	sdelay $0x3  }
0x37: {  	[smem:$0x3FB8] =	sst s10  }
0x38: {  	s10 =	sld [smem:$0x3FB9]  }
0x39: {  	_ = 	snop;
	(pc) =	sbr.ind lr, $3  }
0x3a: {  	_ = 	snop  }
0x3b: {  	_ = 	snop  }
0x3c: {  	p2 =	seq.s32 s10, $0x1;
	s10 =	sld [smem:$0x3FB8]  }
0x3d: {  	_ =	shalt  }
0x3e: {  	_ =	shalt  }
0x3f: {  	_ =	shalt  }
0x40: {  	_ =	shalt  }
0x41: {  	_ =	shalt  }
0x42: {  	_ =	shalt  }
0x43: {  	_ =	shalt  }
0x44: {  	_ =	shalt  }
0x45: {  	_ =	shalt  }
0x46: {  	_ =	shalt  }
0x47: {  	_ =	shalt  }
0x48: {  	_ =	shalt  }
0x49: {  	_ =	shalt  }
0x4a: {  	_ =	shalt  }
0x4b: {  	_ =	shalt  }
0x4c: {  	_ =	shalt  }
0x4d: {  	_ =	shalt  }
0x4e: {  	_ =	shalt  }
0x4f: {  	_ =	shalt  }
0x50: {  	_ =	shalt  }
0x51: {  	_ =	shalt  }
0x52: {  	_ =	shalt  }
0x53: {  	_ =	shalt  }
0x54: {  	_ =	shalt  }
0x55: {  	_ =	shalt  }
0x56: {  	_ =	shalt  }
0x57: {  	_ =	shalt  }
0x58: {  	_ =	shalt  }
0x59: {  	_ =	shalt  }
0x5a: {  	_ =	shalt  }
0x5b: {  	_ =	shalt  }
0x5c: {  	_ =	shalt  }
0x5d: {  	_ =	shalt  }
0x5e: {  	_ =	shalt  }
0x5f: {  	_ =	shalt  }
0x60: {  	_ =	shalt  }
0x61: {  	_ =	shalt  }
0x62: {  	_ =	shalt  }
0x63: {  	_ =	shalt  }
0x64: {  	_ =	shalt  }
0x65: {  	_ =	shalt  }
0x66: {  	_ =	shalt  }
0x67: {  	_ =	shalt  }
0x68: {  	_ =	shalt  }
0x69: {  	_ =	shalt  }
0x6a: {  	_ =	shalt  }
0x6b: {  	_ =	shalt  }
0x6c: {  	_ =	shalt  }
0x6d: {  	_ =	shalt  }
0x6e: {  	_ =	shalt  }
0x6f: {  	_ =	shalt  }
0x70: {  	_ =	shalt  }
0x71: {  	_ =	shalt  }
0x72: {  	_ =	shalt  }
0x73: {  	_ =	shalt  }
0x74: {  	_ =	shalt  }
0x75: {  	_ =	shalt  }
0x76: {  	_ =	shalt  }
0x77: {  	_ =	shalt  }
0x78: {  	_ =	shalt  }
0x79: {  	_ =	shalt  }
0x7a: {  	_ =	shalt  }
0x7b: {  	_ =	shalt  }
0x7c: {  	_ =	shalt  }
0x7d: {  	_ =	shalt  }
0x7e: {  	_ =	shalt  }
0x7f: {  	_ =	shalt  }
0x80: {  	_ =	shalt  }
0x81: {  	_ =	shalt  }
0x82: {  	_ =	shalt  }
0x83: {  	_ =	shalt  }
0x84: {  	_ =	shalt  }
0x85: {  	_ =	shalt  }
0x86: {  	_ =	shalt  }
0x87: {  	_ =	shalt  }
.Lfunc_end0:
.L_simem_size_0:
called_computation_lowered:
.L_overlay_start_0:
0x88: {  	s2 =	sld [smem:$0x3FD9]  }
0x89: {  	s3 =	sld [smem:$0x3FFE];
	_ =	sdelay $0x1  }
0x8a: {  	s1 =	srdreg.scid  }
0x8b: {  	s0 =	sand.u32 $0x1, s1  }
0x8c: {  	s18 =	sshll.u32 s0, $0xA;
	s2 =	sadd.s32 s3, s2  }
0x8d: {  	s2 =	sadd.s32 s2, s18  }
0x8e: {  	[smem:$0x3FC4] =	sst s2  }
0x8f: {  	_ = 	snop  }
0x90: {  	s2 =	sld [smem:$0x3FC9]  }
0x91: {  	s19 =	sld [smem:$0x3FC8]  }
0x92: {  	s4 =	sld [smem:$0x3FC7]  }
0x93: {  	s5 =	sld [smem:$0x3FC6]  }
0x94: {  	s6 =	sld [smem:$0x3FD0];
	(tm) =	ssettm $0x1  }
0x95: {  	s7 =	sld [smem:$0x3FFB];
	_ =	sdelay $0x3  }
0x96: {  	_ =	strace s7  }
0x97: {  	s7 =	sld [smem:$0x3FFC];
	_ =	sdelay $0x3  }
0x98: {  	_ =	strace s7  }
0x99: {  	s7 =	sld [smem:$0x3FFD];
	_ =	sdelay $0x3  }
0x9a: {  	_ =	strace s7  }
0x9b: {  	_ =	strace $0x8FFFFFFF  }
0x9c: {  	s20 =	sld [smem:$0x3FDB];
	_ =	sdelay $0x1  }
0x9d: {  	s8 =	simm.s32 $_scs_section_size  }
0x9e: {  	s9 =	simm.s32 $_size__tile_overlayer_lowered;
	s10 =	simm.s32 $_tile_overlayer_lowered  }
0x9f: {  	s23 =	simm.s32 $0x1BFF;
	s22 =	sshll.u32 s10, $0x1;
	s7 =	sadd.s32 s8, s20  }
0xa0: {  	s11 =	simm.s32 $0x0;
	s21 =	sshll.u32 s9, $0x1;
	s9 =	sadd.s32 s22, s7  }
0xa1: {  	[timem:s11], [sflag:s23] =	dma.local [hbm:s9], s21  }
0xa2: {  	_ =	swait.ge [sflag:s23], s21  }
0xa3: {  	s8 =	ssub.s32 $0x0, s21;
	[sflag:s23] =	ssyncset.done $0x0  }
0xa4: {  	[sflag:s23] =	ssyncadd.s32 s8;
	_ =	sdelay $0x1  }
0xa5: {  	s24 =	simm.s32 $0x1B8B  }
0xa6: {  	_ =	swait.ge [sflag:s24], $0x1  }
0xa7: {  	[sflag:s24] =	ssyncset.done $0x0  }
0xa8: {  	s25 =	simm.s32 $0x1B8E;
	[sflag:s24] =	ssyncadd.s32 $0xFFFFFFFF  }
0xa9: {  	s26 =	simm.s32 $execute0_lowered;
	[smem:$0x3FD2] =	sst s25  }
0xaa: {  	s8 =	sshll.u32 s26, $0x1;
	_ =	strace $0x80000046;
	[dreg:$0x1] =	wrdreg $0xFFFFFFFF  }
0xab: {  	s28 =	simm.s32 $_size_execute0_lowered;
	s7 =	sadd.s32 s7, s8;
	[dreg:$0x0] =	wrdreg $0x0  }
0xac: {  	s8 =	sshll.u32 s28, $0x1;
	[dreg:$0x2] =	wrdreg s7  }
0xad: {  	[dreg:$0x3] =	wrdreg s8  }
0xae: {  	[dreg:$0x4] =	wrdreg $0xC0  }
0xaf: {  	_ =	task [dreg:s11], $0x5FFFF  }
0xb0: {  	[dreg:$0x1] =	wrdreg $0xFFFFFFFF  }
0xb1: {  	[dreg:$0x0] =	wrdreg $0x60  }
0xb2: {  	[dreg:$0x2] =	wrdreg s2  }
0xb3: {  	[dreg:$0x3] =	wrdreg s19  }
0xb4: {  	[dreg:$0x4] =	wrdreg s4  }
0xb5: {  	[dreg:$0x5] =	wrdreg s5  }
0xb6: {  	[dreg:$0x6] =	wrdreg s6  }
0xb7: {  	[dreg:$0x7] =	wrdreg $0x9  }
0xb8: {  	_ =	task.clear_ibuf [dreg:s11], $0x8FFFF;
	_ =	strace $0x90000046  }
0xb9: {  	s29 =	simm.s32 $0x9;
	_ =	strace $0x80000048  }
0xba: {  	_ =	swait.ge [sflag:s29], $0x1  }
0xbb: {  	[sflag:s29] =	ssyncadd.s32 $0xFFFFFFFF  }
0xbc: {  	_ =	strace $0x90000048  }
0xbd: {  	_ =	sfence  }
0xbe: {  	s30 =	sld [smem:$0x0];
	_ =	sdelay $0x2  }
0xbf: {  	s31 =	sshll.u32 s1, $0xD;
	s1 =	sshrl.u32 s1, $0x2  }
0xc0: {  	s3 =	sand.u32 $0x4000, s31;
	s1 =	sadd.s32 s1, s30  }
0xc1: {  	s0 =	sor.u32 s3, s0;
	s1 =	sshll.u32 s1, $0x11  }
0xc2: {  	s0 =	sor.u32 s1, s0  }
0xc3: {  	s0 =	sadd.s32 $0x8F2B, s0  }
0xc4: {  	[sflag:s0] =	ssyncadd.remote.s32 $0x1  }
0xc5: {  	_ =	sfence.sel $0xFFFF  }
0xc6: {  	[dreg:$0x0] =	wrdreg $0xFFFFFFFF;
	(pc) =	sbr.abs _section_cstart, $3  }
0xc7: {  	[dreg:$0x1] =	wrdreg $0xFFFFFFFF  }
0xc8: {  	_ =	task.clear_ibuf [dreg:s11], $0x2FFFF;
	_ =	strace $0x9FFFFFFF  }
0xc9: {  	(tm) =	ssettm $0x7FFFFFFF  }
tec
execute0_lowered:
.L_overlay_start_1:
0x0: {  	(tag) =	ssettag $0x1  }
0x1: {  	s0 =	rddreg [dreg:$0x0]  }
0x2: {  	s2 =	rddreg [dreg:$0x2]  }
0x3: {  	s4 =	rddreg [dreg:$0x3];
	s5 =	srdreg.scid  }
0x4: {  	s3 =	stileid.u32;
	s6 =	rddreg [dreg:$0x4]  }
0x5: {  	s7 =	simm.s32 $0x0;
	s16 =	simm.s32 $0x2;
	s28 =	simm.s32 $0x4F00  }
0x6: {  	s29 =	simm.s32 $0x5700;
	s30 =	simm.s32 $0x5F00;
	s31 =	simm.s32 $0x6700  }
0x7: {  	s15 =	simm.s32 $0x8700;
	s17 =	simm.s32 $0x8F00;
	s18 =	simm.s32 $0x9700  }
0x8: {  	s19 =	simm.s32 $0x9F00;
	s20 =	simm.s32 $0xA700;
	s9 =	simm.s32 $0x0  }
0x9: {  	s1 =	sand.u32 $0x1, s5;
	s3 =	sshll.u32 s3, $0x1;
	[smem:$0x7FF] =	sst s7  }
0xa: {  	s24 =	sadd.s32 $0x100, s4;
	s4 =	sadd.s32 $0x200, s4;
	s12 =	sadd.s32 $0x100, s2  }
0xb: {  	s13 =	sadd.s32 $0x200, s2;
	_ =	strace $0x80000047;
	[dreg:$0x6] =	wrdreg s24  }
0xc: {  	s3 =	sor.u32 s1, s3;
	s1 =	ssub.s32 $0x2, s1;
	[dreg:$0x7] =	wrdreg s4  }
0xd: {  	s24 =	simm.s32 $0x3700;
	s8 =	smul.u32 $0x640, s3;
	s23 =	sshrl.u32 s1, $0x1  }
0xe: {  	s3 =	simm.s32 $0x6F00;
	s1 =	ssub.s32 s1, s23;
	s23 =	simm.s32 $0x1  }
0xf: {  	v2 =	vlaneseq.u32;
	s25 =	sshrl.u32 s8, $0x3;
	s26 =	smax.u32 s1, $0x1;
	s1 =	simm.s32 $0x7F00  }
0x10: {  	vm0 =	vmmov $0xffff;
	v1 =	vshrl.u32 v2, $0x3;
	s0 =	sadd.s32 s0, s25;
	[dreg:$0x9] =	wrdreg s26;
	s25 =	simm.s32 $0x3F00  }
0x11: {  	v0 =	vand.u32 $0x7, v2;
	v2 =	vor.u32 $0x8, v2;
	v1 =	vmul.u32 $0x8, v1;
	s26 =	simm.s32 $0x4700;
	[dreg:$0x8] =	wrdreg s0;
	s0 =	simm.s32 $0x7700  }
.LBB2_1:
0x12: {  	[dreg:$0xa] =	wrdreg s9  }
0x13: {  	s4 =	rddreg [dreg:$0x1];
	s11 =	simm.s32 $0x680  }
0x14: {  	[tilespmem:s11], [sflag:$0x2] =	stream.linear.gather [hbm4b:s4+s7], $0x80, $0x38;
	[tilespmem:$0x12700] =	vst v63  }
0x15: {  	_ =	swait.ge [sflag:s16], $0x80  }
0x16: {  	[sflag:s16] =	ssyncset.done $0x0  }
0x17: {  	[sflag:s16] =	ssyncadd.s32 $0xFFFFFF80  }
0x18: {  	v3 =	vld [tilespmem:$0x680];
	_ =	sdelay $0x4  }
0x19: {  	v4 =	vshrl.u32 v3, $0x3  }
0x1a: {  	v4 =	vmul.u32 $0x30, v4  }
0x1b: {  	v3 =	vand.u32 $0x7, v3  }
0x1c: {  	v3 =	vor.u32 v3, v4  }
0x1d: {  	v4 =	vperm.xlane v3, v0;
	_ =	sdelay $0x1  }
0x1e: {  	v4 =	vadd.s32 v1, v4;
	_ =	sdelay $0x3  }
0x1f: {  	s14 =	simm.s32 $0x700;
	s4 =	rddreg [dreg:$0x3];
	v3 =	vperm.xlane v3, v2  }
0x20: {  	[tilespmem:s14], [sflag:$0x1] =	stream.indirect_vreg.gather [hbm4b:s4+s7], $0x80, v4, vm0, $0xb8;
	[tilespmem:$0x12700] =	vst v63  }
0x21: {  	s10 =	simm.s32 $0xF00;
	s21 =	rddreg [dreg:$0x6];
	v3 =	vadd.s32 v1, v3  }
0x22: {  	[tilespmem:s10], [sflag:$0x1] =	stream.indirect_vreg.gather [hbm4b:s21+s7], $0x80, v4, vm0, $0xb8;
	[tilespmem:$0x12700] =	vst v63  }
0x23: {  	s11 =	simm.s32 $0x1700;
	s10 =	rddreg [dreg:$0x7]  }
0x24: {  	[tilespmem:s11], [sflag:$0x1] =	stream.indirect_vreg.gather [hbm4b:s10+s7], $0x80, v4, vm0, $0xb8;
	[tilespmem:$0x12700] =	vst v63  }
0x25: {  	s22 =	simm.s32 $0x1F00  }
0x26: {  	[tilespmem:s22], [sflag:$0x1] =	stream.indirect_vreg.gather [hbm4b:s4+s7], $0x80, v3, vm0, $0xb8;
	[tilespmem:$0x12700] =	vst v63  }
0x27: {  	s14 =	simm.s32 $0x2700  }
0x28: {  	[tilespmem:s14], [sflag:$0x1] =	stream.indirect_vreg.gather [hbm4b:s21+s7], $0x80, v3, vm0, $0xb8;
	[tilespmem:$0x12700] =	vst v63  }
0x29: {  	s21 =	simm.s32 $0x2F00  }
0x2a: {  	[tilespmem:s21], [sflag:$0x1] =	stream.indirect_vreg.gather [hbm4b:s10+s7], $0x80, v3, vm0, $0xb8;
	[tilespmem:$0x12700] =	vst v63  }
0x2b: {  	_ =	swait.ge [sflag:s23], $0x3000  }
0x2c: {  	[sflag:s23] =	ssyncset.done $0x0  }
0x2d: {  	s22 =	rddreg [dreg:$0x8];
	[sflag:s23] =	ssyncadd.s32 $0xFFFFD000  }
0x2e: {  	[tilespmem:s7], [sflag:$0x2] =	stream.linear.gather [hbm4b:s22+s7], $0x640, $0x38;
	[tilespmem:$0x12700] =	vst v63  }
0x2f: {  	_ =	swait.ge [sflag:s16], $0x640  }
0x30: {  	[sflag:s16] =	ssyncset.done $0x0  }
0x31: {  	s22 =	simm.s32 $0x0;
	[sflag:s16] =	ssyncadd.s32 $0xFFFFF9C0  }
.LBB2_2:
0x32: {  	s4 =	smul.u32 $0x28, s22;
	_ =	sdelay $0x1  }
0x33: {  	v3 =	vld [tilespmem:s4+$0x0];
	_ =	sdelay $0x4  }
0x34: {  	v4 =	vshrl.u32 v3, $0x3  }
0x35: {  	v4 =	vmul.u32 $0x30, v4  }
0x36: {  	v3 =	vand.u32 $0x7, v3  }
0x37: {  	v3 =	vor.u32 v3, v4  }
0x38: {  	v4 =	vperm.xlane v3, v0;
	_ =	sdelay $0x1  }
0x39: {  	v4 =	vadd.s32 v1, v4;
	_ =	sdelay $0x3  }
0x3a: {  	s11 =	simm.s32 $0x0;
	v3 =	vperm.xlane v3, v2  }
0x3b: {  	[tilespmem:s24], [sflag:$0x1] =	stream.indirect_vreg.gather [hbm4b:s2+s11], $0x80, v4, vm0, $0xb8;
	[tilespmem:$0x12700] =	vst v63  }
0x3c: {  	v3 =	vadd.s32 v1, v3  }
0x3d: {  	[tilespmem:s25], [sflag:$0x1] =	stream.indirect_vreg.gather [hbm4b:s12+s11], $0x80, v4, vm0, $0xb8;
	[tilespmem:$0x12700] =	vst v63  }
0x3e: {  	_ = 	snop  }
0x3f: {  	[tilespmem:s26], [sflag:$0x1] =	stream.indirect_vreg.gather [hbm4b:s13+s11], $0x80, v4, vm0, $0xb8;
	[tilespmem:$0x12700] =	vst v63  }
0x40: {  	_ = 	snop  }
0x41: {  	[tilespmem:s28], [sflag:$0x1] =	stream.indirect_vreg.gather [hbm4b:s2+s11], $0x80, v3, vm0, $0xb8;
	[tilespmem:$0x12700] =	vst v63  }
0x42: {  	_ = 	snop  }
0x43: {  	[tilespmem:s29], [sflag:$0x1] =	stream.indirect_vreg.gather [hbm4b:s12+s11], $0x80, v3, vm0, $0xb8;
	[tilespmem:$0x12700] =	vst v63  }
0x44: {  	_ = 	snop  }
0x45: {  	[tilespmem:s30], [sflag:$0x1] =	stream.indirect_vreg.gather [hbm4b:s13+s11], $0x80, v3, vm0, $0xb8;
	[tilespmem:$0x12700] =	vst v63  }
0x46: {  	v3 =	vld [tilespmem:s4+$0x10];
	_ =	sdelay $0x4  }
0x47: {  	v4 =	vshrl.u32 v3, $0x3  }
0x48: {  	v4 =	vmul.u32 $0x30, v4  }
0x49: {  	v3 =	vand.u32 $0x7, v3  }
0x4a: {  	v3 =	vor.u32 v3, v4  }
0x4b: {  	v4 =	vperm.xlane v3, v0;
	_ =	sdelay $0x1  }
0x4c: {  	v4 =	vadd.s32 v1, v4;
	_ =	sdelay $0x3  }
0x4d: {  	v3 =	vperm.xlane v3, v2  }
0x4e: {  	[tilespmem:s31], [sflag:$0x1] =	stream.indirect_vreg.gather [hbm4b:s2+s11], $0x80, v4, vm0, $0xb8;
	[tilespmem:$0x12700] =	vst v63  }
0x4f: {  	v3 =	vadd.s32 v1, v3  }
0x50: {  	[tilespmem:s3], [sflag:$0x1] =	stream.indirect_vreg.gather [hbm4b:s12+s11], $0x80, v4, vm0, $0xb8;
	[tilespmem:$0x12700] =	vst v63  }
0x51: {  	_ = 	snop  }
0x52: {  	[tilespmem:s0], [sflag:$0x1] =	stream.indirect_vreg.gather [hbm4b:s13+s11], $0x80, v4, vm0, $0xb8;
	[tilespmem:$0x12700] =	vst v63  }
0x53: {  	_ = 	snop  }
0x54: {  	[tilespmem:s1], [sflag:$0x1] =	stream.indirect_vreg.gather [hbm4b:s2+s11], $0x80, v3, vm0, $0xb8;
	[tilespmem:$0x12700] =	vst v63  }
0x55: {  	_ = 	snop  }
0x56: {  	[tilespmem:s15], [sflag:$0x1] =	stream.indirect_vreg.gather [hbm4b:s12+s11], $0x80, v3, vm0, $0xb8;
	[tilespmem:$0x12700] =	vst v63  }
0x57: {  	_ = 	snop  }
0x58: {  	[tilespmem:s17], [sflag:$0x1] =	stream.indirect_vreg.gather [hbm4b:s13+s11], $0x80, v3, vm0, $0xb8;
	[tilespmem:$0x12700] =	vst v63  }
0x59: {  	v3 =	vld.msk [tilespmem:s4+$0x20], $0xff;
	_ =	sdelay $0x4  }
0x5a: {  	v4 =	vshrl.u32 v3, $0x3  }
0x5b: {  	v4 =	vmul.u32 $0x30, v4  }
0x5c: {  	v3 =	vand.u32 $0x7, v3  }
0x5d: {  	v3 =	vor.u32 v3, v4  }
0x5e: {  	v3 =	vperm.xlane v3, v0;
	_ =	sdelay $0x1  }
0x5f: {  	v3 =	vadd.s32 v1, v3;
	_ =	sdelay $0x1  }
0x60: {  	s9 =	smul.u32 $0xCD, s22;
	_ =	sdelay $0x1  }
0x61: {  	s14 =	sshrl.u32 s9, $0xD  }
0x62: {  	[tilespmem:s18], [sflag:$0x1] =	stream.indirect_vreg.gather [hbm4b:s2+s11], $0x80, v3, vm0, $0xb8;
	[tilespmem:$0x12700] =	vst v63  }
0x63: {  	s14 =	sadd.s32 s5, s14  }
0x64: {  	[tilespmem:s19], [sflag:$0x1] =	stream.indirect_vreg.gather [hbm4b:s12+s11], $0x80, v3, vm0, $0xb8;
	[tilespmem:$0x12700] =	vst v63  }
0x65: {  	s9 =	sshrl.u32 s9, $0x3;
	s14 =	sand.u32 $0x1, s14  }
0x66: {  	[tilespmem:s20], [sflag:$0x1] =	stream.indirect_vreg.gather [hbm4b:s13+s11], $0x80, v3, vm0, $0xb8;
	[tilespmem:$0x12700] =	vst v63  }
0x67: {  	p0 =	seq.s32 s14, $0x1;
	s14 =	simm.s32 $0x1800;
	_ =	swait.ge [sflag:s23], $0x7800  }
0x68: {  	s9 =	sand.u32 $0x380, s9;
	s14 =	simm.s32 @!p0 $0x0;
	[sflag:s23] =	ssyncset.done $0x0  }
0x69: {  	s9 =	sor.u32 s9, s14;
	[sflag:s23] =	ssyncadd.s32 $0xFFFF8800  }
0x6a: {  	v3 =	vld [tilespmem:s9+$0x700]  }
0x6b: {  	v4 =	vld [tilespmem:s9+$0x710]  }
0x6c: {  	v5 =	vld [tilespmem:s9+$0x720]  }
0x6d: {  	v6 =	vld [tilespmem:s9+$0x730]  }
0x6e: {  	v7 =	vld [tilespmem:s9+$0x740]  }
0x6f: {  	v8 =	vld [tilespmem:s9+$0x750]  }
0x70: {  	v9 =	vld [tilespmem:s9+$0x760]  }
0x71: {  	v10 =	vld [tilespmem:s9+$0x770]  }
0x72: {  	v11 =	vld [tilespmem:s9+$0xB00]  }
0x73: {  	v12 =	vld [tilespmem:s9+$0xB10]  }
0x74: {  	v13 =	vld [tilespmem:s9+$0xB20]  }
0x75: {  	v14 =	vld [tilespmem:s9+$0xB30]  }
0x76: {  	v15 =	vld [tilespmem:s9+$0xB40]  }
0x77: {  	v16 =	vld [tilespmem:s9+$0xB50]  }
0x78: {  	v17 =	vld [tilespmem:s9+$0xB60]  }
0x79: {  	v18 =	vld [tilespmem:s9+$0xB70]  }
0x7a: {  	v19 =	vld [tilespmem:s9+$0xF00]  }
0x7b: {  	v20 =	vld [tilespmem:s9+$0xF10]  }
0x7c: {  	v21 =	vld [tilespmem:s9+$0xF20]  }
0x7d: {  	v22 =	vld [tilespmem:s9+$0xF30]  }
0x7e: {  	v23 =	vld [tilespmem:s9+$0xF40]  }
0x7f: {  	v24 =	vld [tilespmem:s9+$0xF50]  }
0x80: {  	v25 =	vld [tilespmem:s9+$0xF60]  }
0x81: {  	v26 =	vld [tilespmem:s9+$0xF70]  }
0x82: {  	v29 =	vld [tilespmem:s9+$0x1300]  }
0x83: {  	v30 =	vld [tilespmem:s9+$0x1310]  }
0x84: {  	v34 =	vld [tilespmem:s9+$0x1320]  }
0x85: {  	v35 =	vld [tilespmem:s9+$0x1330]  }
0x86: {  	v37 =	vld [tilespmem:s9+$0x1340]  }
0x87: {  	v38 =	vld [tilespmem:s9+$0x1350]  }
0x88: {  	v40 =	vld [tilespmem:s9+$0x1360]  }
0x89: {  	v42 =	vld [tilespmem:s9+$0x1370]  }
0x8a: {  	v43 =	vld [tilespmem:s9+$0x1700]  }
0x8b: {  	v45 =	vld [tilespmem:s9+$0x1710]  }
0x8c: {  	v46 =	vld [tilespmem:s9+$0x1720]  }
0x8d: {  	v48 =	vld [tilespmem:s9+$0x1730]  }
0x8e: {  	v49 =	vld [tilespmem:s9+$0x1740]  }
0x8f: {  	v50 =	vld [tilespmem:s9+$0x1750]  }
0x90: {  	v47 =	vld [tilespmem:s9+$0x1760]  }
0x91: {  	v44 =	vld [tilespmem:s9+$0x1770]  }
0x92: {  	v41 =	vld [tilespmem:s9+$0x1B00]  }
0x93: {  	v39 =	vld [tilespmem:s9+$0x1B10]  }
0x94: {  	v36 =	vld [tilespmem:s9+$0x1B20]  }
0x95: {  	s21 =	simm.s32 $0x0;
	v31 =	vld [tilespmem:s9+$0x1B30]  }
0x96: {  	s14 =	smul.u32 $0x6000, s21;
	v32 =	vld [tilespmem:s9+$0x1B40]  }
0x97: {  	v33 =	vld [tilespmem:s9+$0x1B50]  }
0x98: {  	s10 =	sand.u32 $0x380, s11;
	s14 =	sshra.s32 s14, $0x2;
	v27 =	vld [tilespmem:s9+$0x1B60]  }
0x99: {  	s14 =	sor.u32 s10, s14;
	v28 =	vld [tilespmem:s9+$0x1B70]  }
0x9a: {  	v51 =	vld [tilespmem:s14+$0x3700]  }
0x9b: {  	v52 =	vld [tilespmem:s14+$0x3710]  }
0x9c: {  	v53 =	vld [tilespmem:s14+$0x3720]  }
0x9d: {  	v54 =	vld [tilespmem:s14+$0x3730]  }
0x9e: {  	v55 =	vld [tilespmem:s14+$0x3740]  }
0x9f: {  	v56 =	vld [tilespmem:s14+$0x3750]  }
0xa0: {  	v57 =	vld [tilespmem:s14+$0x3760];
	v51 =	vadd.f32 v51, v3  }
0xa1: {  	v52 =	vadd.f32 v52, v4;
	v61 =	vadd.f32 v53, v5;
	v53 =	vld [tilespmem:s14+$0x3770]  }
0xa2: {  	v62 =	vadd.f32 v54, v6;
	v54 =	vld [tilespmem:s14+$0x3B00];
	[tilespmem:s14+$0x3700] =	vst v51  }
0xa3: {  	v63 =	vadd.f32 v55, v7;
	v55 =	vld [tilespmem:s14+$0x3B10];
	[tilespmem:s14+$0x3710] =	vst v52  }
0xa4: {  	v60 =	vadd.f32 v56, v8;
	v56 =	vld [tilespmem:s14+$0x3B20];
	[tilespmem:s14+$0x3720] =	vst v61  }
0xa5: {  	[tilespmem:s14+$0x3740] =	vst v63;
	v63 =	vld [tilespmem:s14+$0x3B30]  }
0xa6: {  	[tilespmem:s14+$0x3730] =	vst v62;
	v61 =	vadd.f32 v57, v9;
	v52 =	vld [tilespmem:s14+$0x3F00]  }
0xa7: {  	[tilespmem:s14+$0x3750] =	vst v60;
	v60 =	vld [tilespmem:s14+$0x3B40];
	v62 =	vadd.f32 v53, v10  }
0xa8: {  	v51 =	vld [tilespmem:s14+$0x3B50];
	[tilespmem:s14+$0x3760] =	vst v61;
	v58 =	vadd.f32 v54, v11  }
0xa9: {  	v59 =	vadd.f32 v55, v12;
	v55 =	vld [tilespmem:s14+$0x3F10];
	[tilespmem:s14+$0x3770] =	vst v62  }
0xaa: {  	v61 =	vadd.f32 v56, v13;
	[tilespmem:s14+$0x3B00] =	vst v58;
	v62 =	vld [tilespmem:s14+$0x3B60]  }
0xab: {  	[tilespmem:s14+$0x3B10] =	vst v59;
	v53 =	vadd.f32 v63, v14;
	v63 =	vld [tilespmem:s14+$0x3B70];
	v52 =	vadd.f32 v52, v19  }
0xac: {  	[tilespmem:s14+$0x3B20] =	vst v61;
	v54 =	vadd.f32 v60, v15;
	v60 =	vld [tilespmem:s14+$0x3F20]  }
0xad: {  	[tilespmem:s14+$0x3F00] =	vst v52;
	v52 =	vld [tilespmem:s14+$0x4310]  }
0xae: {  	v51 =	vadd.f32 v51, v16;
	v61 =	vld [tilespmem:s14+$0x3F30];
	[tilespmem:s14+$0x3B30] =	vst v53  }
0xaf: {  	[tilespmem:s14+$0x3B40] =	vst v54;
	v53 =	vld [tilespmem:s14+$0x4300];
	v55 =	vadd.f32 v55, v20  }
0xb0: {  	[tilespmem:s14+$0x3B50] =	vst v51;
	v56 =	vadd.f32 v62, v17;
	v62 =	vld [tilespmem:s14+$0x3F40]  }
0xb1: {  	v57 =	vadd.f32 v63, v18;
	v63 =	vld [tilespmem:s14+$0x3F50];
	[tilespmem:s14+$0x3F10] =	vst v55  }
0xb2: {  	v59 =	vadd.f32 v60, v21;
	v60 =	vld [tilespmem:s14+$0x3F60];
	[tilespmem:s14+$0x3B60] =	vst v56;
	v52 =	vadd.f32 v52, v30  }
0xb3: {  	v54 =	vadd.f32 v61, v22;
	v61 =	vld [tilespmem:s14+$0x3F70];
	[tilespmem:s14+$0x3B70] =	vst v57  }
0xb4: {  	v53 =	vadd.f32 v53, v29;
	[tilespmem:s14+$0x4310] =	vst v52;
	v52 =	vld [tilespmem:s14+$0x4700]  }
0xb5: {  	[tilespmem:s14+$0x3F20] =	vst v59;
	v51 =	vadd.f32 v62, v23;
	v62 =	vld [tilespmem:s14+$0x4320]  }
0xb6: {  	[tilespmem:s14+$0x4300] =	vst v53;
	v53 =	vld [tilespmem:s14+$0x4710]  }
0xb7: {  	[tilespmem:s14+$0x3F30] =	vst v54;
	v56 =	vadd.f32 v63, v24;
	v63 =	vld [tilespmem:s14+$0x4330]  }
0xb8: {  	v55 =	vadd.f32 v60, v25;
	v60 =	vld [tilespmem:s14+$0x4340];
	[tilespmem:s14+$0x3F40] =	vst v51  }
0xb9: {  	v57 =	vadd.f32 v61, v26;
	[tilespmem:s14+$0x3F50] =	vst v56  }
0xba: {  	[tilespmem:s14+$0x3F60] =	vst v55;
	v52 =	vadd.f32 v52, v43;
	v61 =	vadd.f32 v62, v34;
	v62 =	vld [tilespmem:s14+$0x4360]  }
0xbb: {  	v55 =	vld [tilespmem:s14+$0x4350];
	[tilespmem:s14+$0x3F70] =	vst v57;
	v53 =	vadd.f32 v53, v45  }
0xbc: {  	v51 =	vadd.f32 v63, v35;
	v63 =	vld [tilespmem:s14+$0x4370];
	[tilespmem:s14+$0x4700] =	vst v52  }
0xbd: {  	v56 =	vadd.f32 v60, v37;
	v60 =	vld [tilespmem:s14+$0x4720];
	[tilespmem:s14+$0x4710] =	vst v53  }
0xbe: {  	[tilespmem:s14+$0x4320] =	vst v61;
	v61 =	vld [tilespmem:s14+$0x4730]  }
0xbf: {  	v58 =	vld [tilespmem:s14+$0x4740];
	[tilespmem:s14+$0x4330] =	vst v51;
	v54 =	vadd.f32 v62, v40  }
0xc0: {  	v59 =	vld [tilespmem:s14+$0x4750];
	v55 =	vadd.f32 v55, v38;
	[tilespmem:s14+$0x4340] =	vst v56  }
0xc1: {  	v62 =	vadd.f32 v63, v42;
	[tilespmem:s14+$0x4360] =	vst v54;
	v54 =	vld [tilespmem:s14+$0x4760]  }
0xc2: {  	[tilespmem:s14+$0x4350] =	vst v55;
	v55 =	vld [tilespmem:s14+$0x4770];
	v51 =	vadd.f32 v60, v46  }
0xc3: {  	v52 =	vld [tilespmem:s14+$0x4B00];
	[tilespmem:s14+$0x4370] =	vst v62;
	v63 =	vadd.f32 v61, v48  }
0xc4: {  	v57 =	vadd.f32 v58, v49;
	[tilespmem:s14+$0x4720] =	vst v51;
	v51 =	vld [tilespmem:s14+$0x4B10]  }
0xc5: {  	s9 =	simm.s32 $0x1;
	v53 =	vld [tilespmem:s14+$0x4B20];
	v56 =	vadd.f32 v59, v50;
	[tilespmem:s14+$0x4730] =	vst v63  }
.LBB2_3:
0xc6: {  	s10 =	sshrl.u32 s9, $0x3;
	p0 =	sne.s32 s9, $0x27;
	[tilespmem:s14+$0x4740] =	vst v57;
	v54 =	vadd.f32 v54, v47;
	v57 =	vld [tilespmem:s14+$0x4B30]  }
0xc7: {  	s10 =	smul.u32 $0x6000, s10;
	[tilespmem:s14+$0x4750] =	vst v56;
	v55 =	vadd.f32 v55, v44;
	v56 =	vld [tilespmem:s14+$0x4B40]  }
0xc8: {  	s11 =	sadd.s32 $0x80, s11;
	[tilespmem:s14+$0x4760] =	vst v54;
	v52 =	vadd.f32 v52, v41;
	v54 =	vld [tilespmem:s14+$0x4B50]  }
0xc9: {  	s21 =	sand.u32 $0x380, s11;
	s10 =	sshra.s32 s10, $0x2;
	[tilespmem:s14+$0x4770] =	vst v55;
	v51 =	vadd.f32 v51, v39;
	v55 =	vld [tilespmem:s14+$0x4B60]  }
0xca: {  	s10 =	sor.u32 s21, s10;
	[tilespmem:s14+$0x4B00] =	vst v52;
	v52 =	vadd.f32 v53, v36;
	v53 =	vld [tilespmem:s14+$0x4B70]  }
0xcb: {  	v58 =	vld [tilespmem:s10+$0x3700];
	[tilespmem:s14+$0x4B10] =	vst v51;
	v51 =	vadd.f32 v57, v31  }
0xcc: {  	v57 =	vld [tilespmem:s10+$0x3710];
	[tilespmem:s14+$0x4B20] =	vst v52;
	v52 =	vadd.f32 v56, v32  }
0xcd: {  	v56 =	vld [tilespmem:s10+$0x3720];
	[tilespmem:s14+$0x4B30] =	vst v51;
	v51 =	vadd.f32 v54, v33  }
0xce: {  	v54 =	vld [tilespmem:s10+$0x3730];
	[tilespmem:s14+$0x4B40] =	vst v52;
	v52 =	vadd.f32 v55, v27  }
0xcf: {  	v55 =	vld [tilespmem:s10+$0x3740];
	[tilespmem:s14+$0x4B50] =	vst v51;
	v51 =	vadd.f32 v53, v28  }
0xd0: {  	v53 =	vadd.f32 v58, v3;
	v58 =	vld [tilespmem:s10+$0x3750];
	[tilespmem:s14+$0x4B60] =	vst v52  }
0xd1: {  	v52 =	vadd.f32 v57, v4;
	v57 =	vld [tilespmem:s10+$0x3760];
	[tilespmem:s14+$0x4B70] =	vst v51;
	s14 =	smov.u32 s10  }
0xd2: {  	[tilespmem:s14+$0x3700] =	vst v53;
	v51 =	vadd.f32 v56, v5;
	v53 =	vld [tilespmem:s14+$0x3770]  }
0xd3: {  	[tilespmem:s14+$0x3710] =	vst v52;
	v52 =	vadd.f32 v54, v6;
	v54 =	vld [tilespmem:s14+$0x3B00]  }
0xd4: {  	[tilespmem:s14+$0x3720] =	vst v51;
	v51 =	vadd.f32 v55, v7;
	v55 =	vld [tilespmem:s14+$0x3B10]  }
0xd5: {  	[tilespmem:s14+$0x3730] =	vst v52;
	v52 =	vadd.f32 v58, v8;
	v56 =	vld [tilespmem:s14+$0x3B20]  }
0xd6: {  	[tilespmem:s14+$0x3740] =	vst v51;
	v51 =	vadd.f32 v57, v9;
	v57 =	vld [tilespmem:s14+$0x3B30]  }
0xd7: {  	[tilespmem:s14+$0x3750] =	vst v52;
	v52 =	vadd.f32 v53, v10;
	v53 =	vld [tilespmem:s14+$0x3B40]  }
0xd8: {  	[tilespmem:s14+$0x3760] =	vst v51;
	v51 =	vadd.f32 v54, v11;
	v54 =	vld [tilespmem:s14+$0x3B50]  }
0xd9: {  	[tilespmem:s14+$0x3770] =	vst v52;
	v52 =	vadd.f32 v55, v12;
	v55 =	vld [tilespmem:s14+$0x3B60]  }
0xda: {  	[tilespmem:s14+$0x3B00] =	vst v51;
	v51 =	vadd.f32 v56, v13;
	v56 =	vld [tilespmem:s14+$0x3B70]  }
0xdb: {  	[tilespmem:s14+$0x3B10] =	vst v52;
	v52 =	vadd.f32 v57, v14;
	v57 =	vld [tilespmem:s14+$0x3F00]  }
0xdc: {  	[tilespmem:s14+$0x3B20] =	vst v51;
	v51 =	vadd.f32 v53, v15;
	v53 =	vld [tilespmem:s14+$0x3F10]  }
0xdd: {  	[tilespmem:s14+$0x3B30] =	vst v52;
	v52 =	vadd.f32 v54, v16;
	v54 =	vld [tilespmem:s14+$0x3F20]  }
0xde: {  	[tilespmem:s14+$0x3B40] =	vst v51;
	v51 =	vadd.f32 v55, v17;
	v55 =	vld [tilespmem:s14+$0x3F30]  }
0xdf: {  	[tilespmem:s14+$0x3B50] =	vst v52;
	v52 =	vadd.f32 v56, v18;
	v56 =	vld [tilespmem:s14+$0x3F40]  }
0xe0: {  	[tilespmem:s14+$0x3B60] =	vst v51;
	v51 =	vadd.f32 v57, v19;
	v57 =	vld [tilespmem:s14+$0x3F50]  }
0xe1: {  	[tilespmem:s14+$0x3B70] =	vst v52;
	v52 =	vadd.f32 v53, v20;
	v53 =	vld [tilespmem:s14+$0x3F60]  }
0xe2: {  	[tilespmem:s14+$0x3F00] =	vst v51;
	v51 =	vadd.f32 v54, v21;
	v54 =	vld [tilespmem:s14+$0x3F70]  }
0xe3: {  	[tilespmem:s14+$0x3F10] =	vst v52;
	v52 =	vadd.f32 v55, v22;
	v55 =	vld [tilespmem:s14+$0x4300]  }
0xe4: {  	[tilespmem:s14+$0x3F20] =	vst v51;
	v51 =	vadd.f32 v56, v23;
	v56 =	vld [tilespmem:s14+$0x4310]  }
0xe5: {  	[tilespmem:s14+$0x3F30] =	vst v52;
	v52 =	vadd.f32 v57, v24;
	v57 =	vld [tilespmem:s14+$0x4320]  }
0xe6: {  	[tilespmem:s14+$0x3F40] =	vst v51;
	v51 =	vadd.f32 v53, v25;
	v53 =	vld [tilespmem:s14+$0x4330]  }
0xe7: {  	[tilespmem:s14+$0x3F50] =	vst v52;
	v52 =	vadd.f32 v54, v26;
	v54 =	vld [tilespmem:s14+$0x4340]  }
0xe8: {  	[tilespmem:s14+$0x3F60] =	vst v51;
	v51 =	vadd.f32 v55, v29;
	v55 =	vld [tilespmem:s14+$0x4350]  }
0xe9: {  	[tilespmem:s14+$0x3F70] =	vst v52;
	v52 =	vadd.f32 v56, v30;
	v56 =	vld [tilespmem:s14+$0x4360]  }
0xea: {  	[tilespmem:s14+$0x4300] =	vst v51;
	v51 =	vadd.f32 v57, v34;
	v57 =	vld [tilespmem:s14+$0x4370]  }
0xeb: {  	[tilespmem:s14+$0x4310] =	vst v52;
	v52 =	vadd.f32 v53, v35;
	v53 =	vld [tilespmem:s14+$0x4700]  }
0xec: {  	[tilespmem:s14+$0x4320] =	vst v51;
	v51 =	vadd.f32 v54, v37;
	v54 =	vld [tilespmem:s14+$0x4710]  }
0xed: {  	[tilespmem:s14+$0x4330] =	vst v52;
	v52 =	vadd.f32 v55, v38;
	v55 =	vld [tilespmem:s14+$0x4720]  }
0xee: {  	[tilespmem:s14+$0x4340] =	vst v51;
	v51 =	vadd.f32 v56, v40;
	v56 =	vld [tilespmem:s14+$0x4730]  }
0xef: {  	[tilespmem:s14+$0x4350] =	vst v52;
	v52 =	vadd.f32 v57, v42;
	v57 =	vld [tilespmem:s14+$0x4740]  }
0xf0: {  	[tilespmem:s14+$0x4360] =	vst v51;
	v51 =	vadd.f32 v53, v43;
	v53 =	vld [tilespmem:s14+$0x4750]  }
.Ltmp0:
0xf1: {  	[tilespmem:s14+$0x4370] =	vst v52;
	v52 =	vadd.f32 v54, v45;
	v54 =	vld [tilespmem:s14+$0x4760];
	(pc) =	sbr.rel @p0 .LBB2_3-.Ltmp0, $4  }
0xf2: {  	[tilespmem:s14+$0x4700] =	vst v51;
	v51 =	vadd.f32 v55, v46;
	v55 =	vld [tilespmem:s14+$0x4770]  }
0xf3: {  	[tilespmem:s14+$0x4710] =	vst v52;
	v56 =	vadd.f32 v56, v48;
	v52 =	vld [tilespmem:s14+$0x4B00]  }
0xf4: {  	[tilespmem:s14+$0x4720] =	vst v51;
	v57 =	vadd.f32 v57, v49;
	v51 =	vld [tilespmem:s14+$0x4B10]  }
0xf5: {  	s9 =	sadd.s32 $0x1, s9;
	[tilespmem:s14+$0x4730] =	vst v56;
	v56 =	vadd.f32 v53, v50;
	v53 =	vld [tilespmem:s14+$0x4B20]  }
0xf6: {  	[tilespmem:s14+$0x4740] =	vst v57;
	v3 =	vld [tilespmem:s14+$0x4B30];
	v4 =	vadd.f32 v54, v47  }
0xf7: {  	v5 =	vld [tilespmem:s14+$0x4B40];
	[tilespmem:s14+$0x4750] =	vst v56;
	v6 =	vadd.f32 v55, v44  }
0xf8: {  	v60 =	vld [tilespmem:s14+$0x4B50];
	[tilespmem:s14+$0x4760] =	vst v4;
	v7 =	vadd.f32 v52, v41  }
0xf9: {  	v8 =	vld [tilespmem:s14+$0x4B60];
	[tilespmem:s14+$0x4770] =	vst v6;
	v61 =	vadd.f32 v51, v39  }
0xfa: {  	v9 =	vld [tilespmem:s14+$0x4B70];
	[tilespmem:s14+$0x4B00] =	vst v7;
	v62 =	vadd.f32 v53, v36  }
0xfb: {  	[tilespmem:s14+$0x4B10] =	vst v61;
	v3 =	vadd.f32 v3, v31  }
0xfc: {  	v5 =	vadd.f32 v5, v32;
	[tilespmem:s14+$0x4B20] =	vst v62  }
0xfd: {  	s4 =	sadd.s32 s8, s4;
	[tilespmem:s14+$0x4B30] =	vst v3;
	v3 =	vadd.f32 v60, v33  }
0xfe: {  	s4 =	sshrl.u32 s4, $0x3;
	v63 =	vadd.f32 v8, v27;
	[tilespmem:s14+$0x4B40] =	vst v5  }
0xff: {  	s22 =	sadd.s32 $0x1, s22;
	s4 =	smul.u32 $0x300, s4;
	[tilespmem:s14+$0x4B50] =	vst v3;
	v3 =	vadd.f32 v9, v28  }
0x100: {  	p0 =	sne.s32 s22, $0x28;
	[tilespmem:s14+$0x4B60] =	vst v63  }
.Ltmp1:
0x101: {  	s4 =	sadd.s32 s6, s4;
	[tilespmem:s14+$0x4B70] =	vst v3;
	(pc) =	sbr.rel @p0 .LBB2_2-.Ltmp1, $4  }
0x102: {  	[hbm4b:s4+s7] =	stream.linear.scatter [tilespmem:s24], [sflag:$0x2], $0x7800, $0x38;
	[tilespmem:$0x12700] =	vst v63  }
0x103: {  	_ =	swait.ge [sflag:s16], $0x7800  }
0x104: {  	[sflag:s16] =	ssyncset.done $0x0  }
0x105: {  	[sflag:s16] =	ssyncadd.s32 $0xFFFF8800  }
0x106: {  	s9 =	rddreg [dreg:$0xa]  }
0x107: {  	s4 =	rddreg [dreg:$0x9];
	s9 =	sadd.s32 $0x1, s9  }
0x108: {  	p0 =	sne.s32 s9, s4  }
.Ltmp2:
0x109: {  	_ = 	snop;
	(pc) =	sbr.rel @p0 .LBB2_1-.Ltmp2, $1  }
0x10a: {  	_ =	sdelay $0x3  }
0x10b: {  	_ =	sfence.sel $0x180000  }
0x10c: {  	[bflag:$0x0] =	sbarrier.arrive $0xFFFF  }
0x10d: {  	_ =	strace $0x90000047  }
0x10e: {  	s0 =	stileid.u32;
	[bflag:$0x2] =	sbarrier.arrive $0xFFFF  }
0x10f: {  	p0 =	sne.s32 s0, $0x0;
	s0 =	rddreg [dreg:$0x5]  }
0x110: {  	s0 =	sadd.s32 @!p0 $0x100000, s0  }
0x111: {  	[sflag:s0] =	ssyncadd.tile.s32 @!p0 $0x1;
	_ =	shalt  }
.Lfunc_end2:
_tile_overlayer_lowered:
.L_overlay_start_2:
0x112: {  	(tag) =	ssettag $0x2  }
0x113: {  	s0 =	rddreg [dreg:$0x0];
	s2 =	stileid.u32  }
0x114: {  	s1 =	rddreg [dreg:$0x1];
	p0 =	sne.s32 s2, $0x0  }
0x115: {  	s3 =	rddreg [dreg:$0x2];
	[bflag:$0x3] =	sbarrier.arrive $0xFFFF;
	s2 =	simm.s32 @!p0 $0x1C02  }
0x116: {  	[timem:s3], [sflag:s2] =	dma.local @!p0 [hbm:s0], s1  }
0x117: {  	s0 =	simm.s32 @!p0 $0x2  }
0x118: {  	_ =	swait.ge @!p0 [sflag:s0], s1  }
0x119: {  	s1 =	ssub.s32 @!p0 $0x0, s1;
	[sflag:s0] =	ssyncset.done @!p0 $0x0  }
0x11a: {  	[sflag:s0] =	ssyncadd.s32 @!p0 s1  }
0x11b: {  	[bflag:$0x3] =	sbarrier.arrive $0xFFFF  }
0x11c: {  	_ =	shalt  }

</sc_bundles>
